<compile_context>
chip_gen: v7x
topology: tpu7x:2x2x1
jax: 0.10.2.dev20260603
libtpu: 0.0.44.dev20260713+nightly
codegen_flags: <defaults>
</compile_context>

<pallas_src>
import functools

import jax
import jax.numpy as jnp
from jax import lax
from jax.experimental import pallas as pl
from jax.experimental.pallas import tpu as pltpu
from jax.experimental.pallas import tpu_sc as plsc

N1 = 50000
N2 = 50000
E = 100000
DX = 209
DH = 128
DEH = 64
NT = N1 + N2

EP = 131072
NPP = EP // 2


_TC_PARAMS = pltpu.CompilerParams(dimension_semantics=("arbitrary",))


def _w_spec(shape):
    return pl.BlockSpec(shape, lambda i: (0,) * len(shape))


def _encode_kernel(x_ref, wn_ref, bn_ref, wb_ref, h_ref, p_ref):
    h = jnp.maximum(
        jnp.dot(x_ref[...], wn_ref[...], preferred_element_type=jnp.float32)
        + bn_ref[...], 0.0)
    h_ref[...] = h
    p_ref[...] = jnp.dot(h, wb_ref[...], preferred_element_type=jnp.float32)


def _encode(x, wn, bn, wb):
    br = 2000
    return pl.pallas_call(
        _encode_kernel,
        grid=(NT // br,),
        in_specs=[
            pl.BlockSpec((br, DX), lambda i: (i, 0)),
            _w_spec((DX, DH)), _w_spec((1, DH)),
            _w_spec((DH, DEH)),
        ],
        out_specs=[
            pl.BlockSpec((br, DH), lambda i: (i, 0)),
            pl.BlockSpec((br, DEH), lambda i: (i, 0)),
        ],
        out_shape=[
            jax.ShapeDtypeStruct((NT, DH), jnp.float32),
            jax.ShapeDtypeStruct((NT, DEH), jnp.float32),
        ],
        compiler_params=_TC_PARAMS,
    )(x, wn, bn, wb)


def _combine1_kernel(eap_ref, ps_ref, g_ref, webd_ref, bebd_ref,
                     w1a_ref, w1c_ref, b1_ref, out_ref):
    e0 = jnp.maximum(
        jnp.dot(eap_ref[...], webd_ref[...], preferred_element_type=jnp.float32)
        + bebd_ref[...], 0.0)
    p = ps_ref[...]
    pp = jnp.concatenate([p, p], axis=1)
    gd = jnp.dot(g_ref[...], w1c_ref[...], preferred_element_type=jnp.float32)
    e1 = jnp.maximum(
        jnp.dot(e0, w1a_ref[...], preferred_element_type=jnp.float32)
        + pp + gd + b1_ref[...], 0.0)
    rows = pl.program_id(0) * 1024 + lax.broadcasted_iota(jnp.int32, (1024, 1), 0)
    out_ref[...] = jnp.where(rows < N1, e1, 0.0)


def _combine1(eap, p1, g1p, webd, bebd, w1abd, w1cbd, b1bd):
    br = 1024
    return pl.pallas_call(
        _combine1_kernel,
        grid=(NPP // br,),
        in_specs=[
            pl.BlockSpec((br, 12), lambda i: (i, 0)),
            pl.BlockSpec((br, DEH), lambda i: (i, 0)),
            pl.BlockSpec((br, 2 * DH), lambda i: (i, 0)),
            _w_spec((12, 2 * DEH)), _w_spec((1, 2 * DEH)),
            _w_spec((2 * DEH, 2 * DEH)), _w_spec((2 * DH, 2 * DEH)),
            _w_spec((1, 2 * DEH)),
        ],
        out_specs=pl.BlockSpec((br, 2 * DEH), lambda i: (i, 0)),
        out_shape=jax.ShapeDtypeStruct((NPP, 2 * DEH), jnp.float32),
        compiler_params=_TC_PARAMS,
    )(eap, p1, g1p, webd, bebd, w1abd, w1cbd, b1bd)


def _update_src_kernel(h_ref, e_ref, w2_ref, b2_ref, wp_ref, out_ref):
    e = e_ref[...]
    a = e[:, :DEH] + e[:, DEH:]
    hn = jnp.maximum(
        h_ref[...]
        + jnp.dot(a, w2_ref[...], preferred_element_type=jnp.float32)
        + b2_ref[...], 0.0)
    out_ref[...] = jnp.dot(hn, wp_ref[...], preferred_element_type=jnp.float32)


def _update_src(h0, e1p, w2, b2, wp):
    br = 2000
    return pl.pallas_call(
        _update_src_kernel,
        grid=(N1 // br,),
        in_specs=[
            pl.BlockSpec((br, DH), lambda i: (i, 0)),
            pl.BlockSpec((br, 2 * DEH), lambda i: (i, 0)),
            _w_spec((DEH, DH)), _w_spec((1, DH)), _w_spec((DH, DEH)),
        ],
        out_specs=pl.BlockSpec((br, DEH), lambda i: (i, 0)),
        out_shape=jax.ShapeDtypeStruct((N1, DEH), jnp.float32),
        compiler_params=_TC_PARAMS,
    )(h0, e1p, w2, b2, wp)


def _update_dst_kernel(h_ref, a_ref, w2_ref, b2_ref, out_ref):
    out_ref[...] = jnp.maximum(
        h_ref[...]
        + jnp.dot(a_ref[...], w2_ref[...], preferred_element_type=jnp.float32)
        + b2_ref[...], 0.0)


def _update_dst(h0, agg, w2, b2):
    br = 2000
    return pl.pallas_call(
        _update_dst_kernel,
        grid=(N2 // br,),
        in_specs=[
            pl.BlockSpec((br, DH), lambda i: (i + N1 // br, 0)),
            pl.BlockSpec((br, DEH), lambda i: (i, 0)),
            _w_spec((DEH, DH)), _w_spec((1, DH)),
        ],
        out_specs=pl.BlockSpec((br, DH), lambda i: (i, 0)),
        out_shape=jax.ShapeDtypeStruct((N2, DH), jnp.float32),
        compiler_params=_TC_PARAMS,
    )(h0, agg, w2, b2)


def _final_kernel(e1_ref, ps_ref, g_ref, w1a_ref, w1c_ref, b1_ref,
                  wa_ref, ba_ref, wb_ref, bb_ref, wc_ref, bc_ref,
                  wf_ref, bf_ref, out_ref):
    p = ps_ref[...]
    pp = jnp.concatenate([p, p], axis=1)
    gd = jnp.dot(g_ref[...], w1c_ref[...], preferred_element_type=jnp.float32)
    e2 = jnp.maximum(
        jnp.dot(e1_ref[...], w1a_ref[...], preferred_element_type=jnp.float32)
        + pp + gd + b1_ref[...], 0.0)
    z = jnp.maximum(
        jnp.dot(e2, wa_ref[...], preferred_element_type=jnp.float32)
        + ba_ref[...], 0.0)
    z = jnp.maximum(
        jnp.dot(z, wb_ref[...], preferred_element_type=jnp.float32)
        + bb_ref[...], 0.0)
    z = jnp.maximum(
        jnp.dot(z, wc_ref[...], preferred_element_type=jnp.float32)
        + bc_ref[...], 0.0)
    out_ref[...] = (jnp.dot(z, wf_ref[...], preferred_element_type=jnp.float32)
                    + bf_ref[...])


def _final(e1p, p2s, g2p, w1abd, w1cbd, b1bd, cw):
    br = 2000
    return pl.pallas_call(
        _final_kernel,
        grid=(N1 // br,),
        in_specs=[
            pl.BlockSpec((br, 2 * DEH), lambda i: (i, 0)),
            pl.BlockSpec((br, DEH), lambda i: (i, 0)),
            pl.BlockSpec((br, 2 * DH), lambda i: (i, 0)),
            _w_spec((2 * DEH, 2 * DEH)), _w_spec((2 * DH, 2 * DEH)),
            _w_spec((1, 2 * DEH)),
            _w_spec((128, 128)), _w_spec((1, 128)),
            _w_spec((128, 64)), _w_spec((1, 64)),
            _w_spec((64, 32)), _w_spec((1, 32)),
            _w_spec((32, 3)), _w_spec((1, 3)),
        ],
        out_specs=pl.BlockSpec((br, 3), lambda i: (i, 0)),
        out_shape=jax.ShapeDtypeStruct((N1, 3), jnp.float32),
        compiler_params=_TC_PARAMS,
    )(e1p, p2s, g2p, w1abd, w1cbd, b1bd, *cw)



_SC_MESH = dict(core_axis_name="c", subcore_axis_name="s")
_NC, _NS = 2, 16
_NW = _NC * _NS
_GB = EP // _NW
_GCH = _GB // 128
_GG = 4


def _sc_gather(table, idx_flat):
    mesh = plsc.VectorSubcoreMesh(**_SC_MESH)

    @functools.partial(
        pl.kernel, mesh=mesh,
        out_type=jax.ShapeDtypeStruct((EP, DH), jnp.float32),
        scratch_types=[
            pltpu.VMEM((_GB,), jnp.int32),
            pltpu.VMEM((_GG * 128, DH), jnp.float32),
            pltpu.SemaphoreType.DMA,
        ],
    )
    def gather_k(table_hbm, idx_hbm, out_hbm, idx_v, rows_v, sem):
        wid = lax.axis_index("s") * _NC + lax.axis_index("c")
        base = wid * _GB
        pltpu.sync_copy(idx_hbm.at[pl.ds(base, _GB)], idx_v)

        @pl.loop(0, _GCH // _GG)
        def _grp(grp):
            off = grp * _GG
            cps = []
            for j in range(_GG):
                cps.append(pltpu.async_copy(
                    table_hbm.at[idx_v.at[pl.ds((off + j) * 128, 128)]],
                    rows_v.at[pl.ds(j * 128, 128)], sem))
            for cp in cps:
                cp.wait()
            pltpu.sync_copy(
                rows_v,
                out_hbm.at[pl.ds(base + off * 128, _GG * 128)])

    return gather_k(table, idx_flat)


_NWIN = 2
_WROWS = 12544
_WDST = 2 * _WROWS
N2X = _NWIN * _WDST
_DEAD = _WROWS
_TEDG = EP // _NS
_SCHK = 128
_ITERS = _TEDG // _SCHK
_DROWS = _WROWS // _NS
_SLOT = 1024


def _sc_scatter(vals, widx, zrows):
    mesh = plsc.VectorSubcoreMesh(**_SC_MESH)

    @functools.partial(
        pl.kernel, mesh=mesh,
        out_type=jax.ShapeDtypeStruct((_NWIN * _WROWS, 2 * DEH), jnp.float32),
        scratch_types=[
            pltpu.VMEM((_SCHK,), jnp.int32),
            pltpu.VMEM((_SCHK, 2 * DEH), jnp.float32),
            pltpu.VMEM_SHARED((_WROWS + 8, 2 * DEH), jnp.float32),
        ],
    )
    def scatter_k(v_hbm, widx_hbm, z_hbm, out_hbm, idx_v, buf_v, acc_s):
        c = lax.axis_index("c")
        s = lax.axis_index("s")
        pltpu.sync_copy(z_hbm, acc_s.at[pl.ds(s * _DROWS, _DROWS)])
        plsc.subcore_barrier()

        @pl.loop(0, _ITERS)
        def _grp(g):
            slot = (c * _NS + s) * _ITERS + g
            pltpu.sync_copy(
                widx_hbm.at[pl.ds(slot * _SLOT, _SCHK)], idx_v)
            pltpu.sync_copy(
                v_hbm.at[pl.ds(s * _TEDG + g * _SCHK, _SCHK)], buf_v)
            pltpu.sync_copy(buf_v, acc_s.at[idx_v], add=True)

        plsc.subcore_barrier()
        pltpu.sync_copy(
            acc_s.at[pl.ds(s * _DROWS, _DROWS)],
            out_hbm.at[pl.ds(c * _WROWS + s * _DROWS, _DROWS)])

    return scatter_k(vals, widx, zrows)




def _blockdiag2(w):
    k, n = w.shape
    z = jnp.zeros((2 * k, 2 * n), w.dtype)
    return z.at[:k, :n].set(w).at[k:, n:].set(w)


def _row(v):
    return v.reshape(1, -1)


def kernel(x, edge_attr, params, edge_index):
    p = params
    st1, st2 = p["steps"][0], p["steps"][1]
    w1a1, w1b1, w1c1 = st1["W1"][:DEH], st1["W1"][DEH:DEH + DH], st1["W1"][DEH + DH:]
    w1a2, w1b2, w1c2 = st2["W1"][:DEH], st2["W1"][DEH:DEH + DH], st2["W1"][DEH + DH:]
    webd = _blockdiag2(p["We"])
    bebd = _row(jnp.concatenate([p["be"], p["be"]]))
    w1abd1 = _blockdiag2(w1a1)
    w1cbd1 = _blockdiag2(w1c1)
    b1bd1 = _row(jnp.concatenate([st1["b1"], st1["b1"]]))
    w1abd2 = _blockdiag2(w1a2)
    w1cbd2 = _blockdiag2(w1c2)
    b1bd2 = _row(jnp.concatenate([st2["b1"], st2["b1"]]))

    hid = p["cls"]["hidden"]
    cw = []
    for layer in hid:
        cw.append(layer["W"] * layer["gamma"][None, :])
        cw.append(_row(layer["b"] * layer["gamma"] + layer["beta"]))
    cw.append(p["cls"]["Wf"])
    cw.append(_row(p["cls"]["bf"]))

    dst = edge_index[1].astype(jnp.int32)
    gidx1 = jnp.zeros((EP,), jnp.int32).at[:E].set(dst)
    gidx2 = jnp.zeros((EP,), jnp.int32).at[:E].set(dst - N1)
    dstrow = jnp.full((EP,), -1, jnp.int32).at[:E].set(dst - N1)
    wins = []
    for w in range(_NWIN):
        local = dstrow - w * _WDST
        wins.append(jnp.where(
            (local >= 0) & (local < _WDST), local >> 1, _DEAD))
    widx = jnp.pad(
        jnp.stack(wins).reshape(_NWIN, _NS, _ITERS, _SCHK),
        ((0, 0), (0, 0), (0, 0), (0, _SLOT - _SCHK))).reshape(-1)
    even = (dstrow & 1) == 0
    eap = jnp.zeros((NPP, 12), jnp.float32).at[:N1].set(
        edge_attr.reshape(N1, 12))
    zrows = jnp.zeros((_DROWS, 2 * DEH), jnp.float32)

    h0, p1 = _encode(x, p["Wn"], _row(p["bn"]), w1b1)
    g1 = _sc_gather(h0, gidx1)
    e1p = _combine1(eap, p1, g1.reshape(NPP, 2 * DH),
                    webd, bebd, w1abd1, w1cbd1, b1bd1)
    e1f = e1p.reshape(EP, DEH)
    z64 = jnp.zeros_like(e1f)
    e1fw = jnp.where(even[:, None],
                     jnp.concatenate([e1f, z64], axis=1),
                     jnp.concatenate([z64, e1f], axis=1))
    agg = _sc_scatter(e1fw, widx, zrows).reshape(N2X, DEH)
    p2s = _update_src(h0, e1p, st1["W2"], _row(st1["b2"]), w1b2)
    h1d = _update_dst(h0, agg[:N2], st1["W2"], _row(st1["b2"]))
    g2 = _sc_gather(h1d, gidx2)
    return _final(e1p, p2s, g2.reshape(NPP, 2 * DH), w1abd2, w1cbd2, b1bd2, cw)

# --- scband reference (transcript-rebuilt; emitter-appended) ---
"""Pipeline reference for scband-stitch-model-18365280158354 (READ-ONLY COPY).

The authoritative reference and input builder live on the scoring server;
editing this copy changes nothing except your own understanding.
"""

import jax
import jax.numpy as jnp
import numpy as np

N1 = 50000
N2 = 50000
TOPN = 2
E = N1 * TOPN
DX = 209
DE = 6
DH = 128
DEH = 64
N_STEPS = 2
FC_DIMS = [128, 64, 32, TOPN + 1]


def _dense(key, shape, scale=0.05):
    return scale * jax.random.normal(key, shape, dtype=jnp.float32)


def setup_inputs(seed: int = 0):
    key = jax.random.key(seed)
    ks = jax.random.split(key, 32)
    x = jax.random.normal(ks[0], (N1 + N2, DX), dtype=jnp.float32)
    # edge_index[0]: each source node (slice 1) repeated TOPN times (sorted/grouped,
    # exactly as produced by build_one_graph_low_ram in preprocess)
    src = jnp.repeat(jnp.arange(N1, dtype=jnp.int32), TOPN)
    # edge_index[1]: matched nodes in slice 2, offset by N1
    dst = jax.random.randint(ks[1], (E,), N1, N1 + N2, dtype=jnp.int32)
    edge_index = jnp.stack([src, dst])
    edge_attr = jax.random.normal(ks[2], (E, DE), dtype=jnp.float32)
    params = {
        "Wn": _dense(ks[3], (DX, DH)), "bn": jnp.zeros((DH,), jnp.float32),
        "We": _dense(ks[4], (DE, DEH)), "be": jnp.zeros((DEH,), jnp.float32),
        "steps": [],
        "cls": {},
    }
    for i in range(N_STEPS):
        params["steps"].append({
            "W1": _dense(ks[5 + 2 * i], (DEH + 2 * DH, DEH)),
            "b1": jnp.zeros((DEH,), jnp.float32),
            "W2": _dense(ks[6 + 2 * i], (DEH, DH)),
            "b2": jnp.zeros((DH,), jnp.float32),
        })
    in_dim = TOPN * DEH
    kidx = 10
    hidden = []
    for d in FC_DIMS[:-1]:
        hidden.append({
            "W": _dense(ks[kidx], (in_dim, d)),
            "b": jnp.zeros((d,), jnp.float32),
            "gamma": jnp.ones((d,), jnp.float32),
            "beta": jnp.zeros((d,), jnp.float32),
        })
        in_dim = d
        kidx += 1
    params["cls"]["hidden"] = hidden
    params["cls"]["Wf"] = _dense(ks[kidx], (in_dim, FC_DIMS[-1]))
    params["cls"]["bf"] = jnp.zeros((FC_DIMS[-1],), jnp.float32)
    return {"x": x, "edge_attr": edge_attr, "params": params, "edge_index": edge_index}


def _forward(x, edge_attr, params, edge_index):
    src = edge_index[0]
    dst = edge_index[1]
    n_nodes = x.shape[0]
    # TSS: encode nodes + edges, N_STEPS rounds of message passing that return
    # per-round edge embeddings; forward uses the last round (x = x[-1]).
    h = jax.nn.relu(x @ params["Wn"] + params["bn"])
    e = jax.nn.relu(edge_attr @ params["We"] + params["be"])
    edge_feats = []
    for st in params["steps"]:
        m = jnp.concatenate([e, jnp.take(h, src, axis=0), jnp.take(h, dst, axis=0)], axis=-1)
        e = jax.nn.relu(m @ st["W1"] + st["b1"])
        agg = jnp.zeros((n_nodes, e.shape[-1]), e.dtype)
        agg = agg.at[dst].add(e)
        agg = agg.at[src].add(e)
        h = jax.nn.relu(h + agg @ st["W2"] + st["b2"])
        edge_feats.append(e)
    e_last = edge_feats[-1]
    # torch: node0 = edge_index[0].unique(); stack x[edge_index[0]==nid].reshape(-1).
    # edge_index[0] is sorted with exactly TOPN edges per unique source node, so
    # group-by-unique-source is exactly a reshape to [N1, TOPN*DEH].
    feat = e_last.reshape(N1, TOPN * DEH)
    # MLP classifier, fc_dims=[128,64,32,TOPN+1], batchnorm (inference: running
    # mean 0, var 1 -> affine gamma/beta), dropout inactive at eval.
    z = feat
    for layer in params["cls"]["hidden"]:
        z = z @ layer["W"] + layer["b"]
        z = z * layer["gamma"] + layer["beta"]
        z = jax.nn.relu(z)
    z = z @ params["cls"]["Wf"] + params["cls"]["bf"]
    return z


def reference(x, edge_attr, params, edge_index):
    return _forward(x, edge_attr, params, edge_index)

if __name__ == "__main__":
    import jax
    _d = setup_inputs()
    print(jax.jit(kernel)(*tuple(_d.values())))

</pallas_src>

<mosaic_0001>
#map = affine_map<(d0, d1) -> (0, 0)>
#map1 = affine_map<(d0, d1) -> (0)>
module attributes {stable_mosaic.version = 14 : i64} {
  func.func @gather_k(%arg0: i32, %arg1: i32, %arg2: memref<50000x128xf32, #tpu.memory_space<hbm>>, %arg3: memref<131072xi32, #tpu.memory_space<hbm>>, %arg4: memref<131072x128xf32, #tpu.memory_space<hbm>>, %arg5: memref<4096xi32, #tpu.memory_space<vmem>>, %arg6: memref<512x128xf32, #tpu.memory_space<vmem>>, %arg7: memref<!tpu.dma_semaphore, #tpu.memory_space<semaphore_mem>>) attributes {dimension_semantics = [#tpu.dimension_semantics<core_parallel>, #tpu.dimension_semantics<subcore_parallel>], iteration_bounds = array<i64: 2, 16>, scalar_prefetch = 0 : i64, scratch_operands = 3 : i64, tpu.core_type = #tpu.core_type<sc_vector_subcore>, window_params = [{transform_indices = #map}, {transform_indices = #map1}, {transform_indices = #map}]} {
    %mul3A = arith.constant 2 : i32
    %mul3A_0 = arith.muli %arg1, %mul3A : i32
    %add3A = arith.addi %mul3A_0, %arg0 : i32
    %mul3A_1 = arith.constant 4096 : i32
    %mul3A_2 = arith.muli %add3A, %mul3A_1 : i32
    "tpu.region"() ({
      %run_scoped3A = tpu.sem_alloc : memref<!tpu.dma_semaphore, #tpu.memory_space<semaphore_mem>>
      %dma_start3A = tpu.memref_slice %arg3[%mul3A_2] : memref<131072xi32, #tpu.memory_space<hbm>> -> memref<4096xi32, #tpu.memory_space<hbm>>
      %dma_start3A_7 = tpu.memref_slice %arg3[%mul3A_2] : memref<131072xi32, #tpu.memory_space<hbm>> -> memref<4096xi32, #tpu.memory_space<hbm>>
      tpu.enqueue_dma source(%dma_start3A_7 : memref<4096xi32, #tpu.memory_space<hbm>>) target(%arg5 : memref<4096xi32, #tpu.memory_space<vmem>>) target_semaphore(%run_scoped3A : memref<!tpu.dma_semaphore, #tpu.memory_space<semaphore_mem>>)
      %dma_wait3A = tpu.memref_slice %arg3[%mul3A_2] : memref<131072xi32, #tpu.memory_space<hbm>> -> memref<4096xi32, #tpu.memory_space<hbm>>
      %dma_wait3A_8 = tpu.memref_slice %arg3[%mul3A_2] : memref<131072xi32, #tpu.memory_space<hbm>> -> memref<4096xi32, #tpu.memory_space<hbm>>
      tpu.wait_dma2 semaphore(%run_scoped3A : memref<!tpu.dma_semaphore, #tpu.memory_space<semaphore_mem>>) src(%dma_wait3A_8 : memref<4096xi32, #tpu.memory_space<hbm>>) dst(%arg5 : memref<4096xi32, #tpu.memory_space<vmem>>)
      tpu.yield
    }) : () -> ()
    %scan3A = arith.constant 0 : i32
    %scan3A_3 = arith.constant 8 : i32
    %scan3A_4 = arith.addi %scan3A, %scan3A_3 : i32
    %scan3A_5 = arith.constant 1 : i32
    scf.for %scan3A_7 = %scan3A to %scan3A_4 step %scan3A_5  : i32 {
      %mul3A_8 = arith.constant 1 : i32
      %mul3A_9 = arith.muli %scan3A_7, %mul3A_8 : i32
      %add3A_10 = arith.constant 0 : i32
      %add3A_11 = arith.addi %add3A_10, %mul3A_9 : i32
      %mul3A_12 = arith.constant 4 : i32
      %mul3A_13 = arith.muli %add3A_11, %mul3A_12 : i32
      %add3A_14 = arith.constant 0 : i32
      %add3A_15 = arith.addi %mul3A_13, %add3A_14 : i32
      %mul3A_16 = arith.constant 128 : i32
      %mul3A_17 = arith.muli %add3A_15, %mul3A_16 : i32
      %dma_start3A = arith.constant 0 : i32
      %dma_start3A_18 = arith.constant 0 : i32
      %dma_start3A_19 = tpu.memref_slice %arg6[%dma_start3A, %dma_start3A_18] : memref<512x128xf32, #tpu.memory_space<vmem>> -> memref<128x128xf32, #tpu.memory_space<vmem>>
      %dma_start3A_20 = tpu.memref_slice %arg5[%mul3A_17] : memref<4096xi32, #tpu.memory_space<vmem>> -> memref<128xi32, #tpu.memory_space<vmem>>
      %dma_start3A_21 = arith.constant 0 : i32
      %dma_start3A_22 = arith.constant 0 : i32
      %dma_start3A_23 = tpu.memref_slice %arg2[%dma_start3A_21, %dma_start3A_22] : memref<50000x128xf32, #tpu.memory_space<hbm>> -> memref<50000x128xf32, #tpu.memory_space<hbm>>
      tpu.enqueue_indirect_dma source(%dma_start3A_23 : memref<50000x128xf32, #tpu.memory_space<hbm>>) target(%dma_start3A_19 : memref<128x128xf32, #tpu.memory_space<vmem>>) offsets(%dma_start3A_20 : memref<128xi32, #tpu.memory_space<vmem>>) semaphore(%arg7 : memref<!tpu.dma_semaphore, #tpu.memory_space<semaphore_mem>>)
      %add3A_24 = arith.constant 1 : i32
      %add3A_25 = arith.addi %mul3A_13, %add3A_24 : i32
      %mul3A_26 = arith.constant 128 : i32
      %mul3A_27 = arith.muli %add3A_25, %mul3A_26 : i32
      %dma_start3A_28 = arith.constant 128 : i32
      %dma_start3A_29 = arith.constant 0 : i32
      %dma_start3A_30 = tpu.memref_slice %arg6[%dma_start3A_28, %dma_start3A_29] : memref<512x128xf32, #tpu.memory_space<vmem>> -> memref<128x128xf32, #tpu.memory_space<vmem>>
      %dma_start3A_31 = tpu.memref_slice %arg5[%mul3A_27] : memref<4096xi32, #tpu.memory_space<vmem>> -> memref<128xi32, #tpu.memory_space<vmem>>
      %dma_start3A_32 = arith.constant 0 : i32
      %dma_start3A_33 = arith.constant 0 : i32
      %dma_start3A_34 = tpu.memref_slice %arg2[%dma_start3A_32, %dma_start3A_33] : memref<50000x128xf32, #tpu.memory_space<hbm>> -> memref<50000x128xf32, #tpu.memory_space<hbm>>
      tpu.enqueue_indirect_dma source(%dma_start3A_34 : memref<50000x128xf32, #tpu.memory_space<hbm>>) target(%dma_start3A_30 : memref<128x128xf32, #tpu.memory_space<vmem>>) offsets(%dma_start3A_31 : memref<128xi32, #tpu.memory_space<vmem>>) semaphore(%arg7 : memref<!tpu.dma_semaphore, #tpu.memory_space<semaphore_mem>>)
      %add3A_35 = arith.constant 2 : i32
      %add3A_36 = arith.addi %mul3A_13, %add3A_35 : i32
      %mul3A_37 = arith.constant 128 : i32
      %mul3A_38 = arith.muli %add3A_36, %mul3A_37 : i32
      %dma_start3A_39 = arith.constant 256 : i32
      %dma_start3A_40 = arith.constant 0 : i32
      %dma_start3A_41 = tpu.memref_slice %arg6[%dma_start3A_39, %dma_start3A_40] : memref<512x128xf32, #tpu.memory_space<vmem>> -> memref<128x128xf32, #tpu.memory_space<vmem>>
      %dma_start3A_42 = tpu.memref_slice %arg5[%mul3A_38] : memref<4096xi32, #tpu.memory_space<vmem>> -> memref<128xi32, #tpu.memory_space<vmem>>
      %dma_start3A_43 = arith.constant 0 : i32
      %dma_start3A_44 = arith.constant 0 : i32
      %dma_start3A_45 = tpu.memref_slice %arg2[%dma_start3A_43, %dma_start3A_44] : memref<50000x128xf32, #tpu.memory_space<hbm>> -> memref<50000x128xf32, #tpu.memory_space<hbm>>
      tpu.enqueue_indirect_dma source(%dma_start3A_45 : memref<50000x128xf32, #tpu.memory_space<hbm>>) target(%dma_start3A_41 : memref<128x128xf32, #tpu.memory_space<vmem>>) offsets(%dma_start3A_42 : memref<128xi32, #tpu.memory_space<vmem>>) semaphore(%arg7 : memref<!tpu.dma_semaphore, #tpu.memory_space<semaphore_mem>>)
      %add3A_46 = arith.constant 3 : i32
      %add3A_47 = arith.addi %mul3A_13, %add3A_46 : i32
      %mul3A_48 = arith.constant 128 : i32
      %mul3A_49 = arith.muli %add3A_47, %mul3A_48 : i32
      %dma_start3A_50 = arith.constant 384 : i32
      %dma_start3A_51 = arith.constant 0 : i32
      %dma_start3A_52 = tpu.memref_slice %arg6[%dma_start3A_50, %dma_start3A_51] : memref<512x128xf32, #tpu.memory_space<vmem>> -> memref<128x128xf32, #tpu.memory_space<vmem>>
      %dma_start3A_53 = tpu.memref_slice %arg5[%mul3A_49] : memref<4096xi32, #tpu.memory_space<vmem>> -> memref<128xi32, #tpu.memory_space<vmem>>
      %dma_start3A_54 = arith.constant 0 : i32
      %dma_start3A_55 = arith.constant 0 : i32
      %dma_start3A_56 = tpu.memref_slice %arg2[%dma_start3A_54, %dma_start3A_55] : memref<50000x128xf32, #tpu.memory_space<hbm>> -> memref<50000x128xf32, #tpu.memory_space<hbm>>
      tpu.enqueue_indirect_dma source(%dma_start3A_56 : memref<50000x128xf32, #tpu.memory_space<hbm>>) target(%dma_start3A_52 : memref<128x128xf32, #tpu.memory_space<vmem>>) offsets(%dma_start3A_53 : memref<128xi32, #tpu.memory_space<vmem>>) semaphore(%arg7 : memref<!tpu.dma_semaphore, #tpu.memory_space<semaphore_mem>>)
      %dma_wait3A = arith.constant 0 : i32
      %dma_wait3A_57 = arith.constant 0 : i32
      %dma_wait3A_58 = tpu.memref_slice %arg6[%dma_wait3A, %dma_wait3A_57] : memref<512x128xf32, #tpu.memory_space<vmem>> -> memref<128x128xf32, #tpu.memory_space<vmem>>
      %dma_wait3A_59 = tpu.memref_slice %arg5[%mul3A_17] : memref<4096xi32, #tpu.memory_space<vmem>> -> memref<128xi32, #tpu.memory_space<vmem>>
      %dma_wait3A_60 = arith.constant 0 : i32
      %dma_wait3A_61 = arith.constant 0 : i32
      %dma_wait3A_62 = tpu.memref_slice %arg2[%dma_wait3A_60, %dma_wait3A_61] : memref<50000x128xf32, #tpu.memory_space<hbm>> -> memref<50000x128xf32, #tpu.memory_space<hbm>>
      tpu.wait_indirect_dma semaphore(%arg7 : memref<!tpu.dma_semaphore, #tpu.memory_space<semaphore_mem>>) src(%dma_wait3A_62 : memref<50000x128xf32, #tpu.memory_space<hbm>>) dst(%dma_wait3A_58 : memref<128x128xf32, #tpu.memory_space<vmem>>)
      %dma_wait3A_63 = arith.constant 128 : i32
      %dma_wait3A_64 = arith.constant 0 : i32
      %dma_wait3A_65 = tpu.memref_slice %arg6[%dma_wait3A_63, %dma_wait3A_64] : memref<512x128xf32, #tpu.memory_space<vmem>> -> memref<128x128xf32, #tpu.memory_space<vmem>>
      %dma_wait3A_66 = tpu.memref_slice %arg5[%mul3A_27] : memref<4096xi32, #tpu.memory_space<vmem>> -> memref<128xi32, #tpu.memory_space<vmem>>
      %dma_wait3A_67 = arith.constant 0 : i32
      %dma_wait3A_68 = arith.constant 0 : i32
      %dma_wait3A_69 = tpu.memref_slice %arg2[%dma_wait3A_67, %dma_wait3A_68] : memref<50000x128xf32, #tpu.memory_space<hbm>> -> memref<50000x128xf32, #tpu.memory_space<hbm>>
      tpu.wait_indirect_dma semaphore(%arg7 : memref<!tpu.dma_semaphore, #tpu.memory_space<semaphore_mem>>) src(%dma_wait3A_69 : memref<50000x128xf32, #tpu.memory_space<hbm>>) dst(%dma_wait3A_65 : memref<128x128xf32, #tpu.memory_space<vmem>>)
      %dma_wait3A_70 = arith.constant 256 : i32
      %dma_wait3A_71 = arith.constant 0 : i32
      %dma_wait3A_72 = tpu.memref_slice %arg6[%dma_wait3A_70, %dma_wait3A_71] : memref<512x128xf32, #tpu.memory_space<vmem>> -> memref<128x128xf32, #tpu.memory_space<vmem>>
      %dma_wait3A_73 = tpu.memref_slice %arg5[%mul3A_38] : memref<4096xi32, #tpu.memory_space<vmem>> -> memref<128xi32, #tpu.memory_space<vmem>>
      %dma_wait3A_74 = arith.constant 0 : i32
      %dma_wait3A_75 = arith.constant 0 : i32
      %dma_wait3A_76 = tpu.memref_slice %arg2[%dma_wait3A_74, %dma_wait3A_75] : memref<50000x128xf32, #tpu.memory_space<hbm>> -> memref<50000x128xf32, #tpu.memory_space<hbm>>
      tpu.wait_indirect_dma semaphore(%arg7 : memref<!tpu.dma_semaphore, #tpu.memory_space<semaphore_mem>>) src(%dma_wait3A_76 : memref<50000x128xf32, #tpu.memory_space<hbm>>) dst(%dma_wait3A_72 : memref<128x128xf32, #tpu.memory_space<vmem>>)
      %dma_wait3A_77 = arith.constant 384 : i32
      %dma_wait3A_78 = arith.constant 0 : i32
      %dma_wait3A_79 = tpu.memref_slice %arg6[%dma_wait3A_77, %dma_wait3A_78] : memref<512x128xf32, #tpu.memory_space<vmem>> -> memref<128x128xf32, #tpu.memory_space<vmem>>
      %dma_wait3A_80 = tpu.memref_slice %arg5[%mul3A_49] : memref<4096xi32, #tpu.memory_space<vmem>> -> memref<128xi32, #tpu.memory_space<vmem>>
      %dma_wait3A_81 = arith.constant 0 : i32
      %dma_wait3A_82 = arith.constant 0 : i32
      %dma_wait3A_83 = tpu.memref_slice %arg2[%dma_wait3A_81, %dma_wait3A_82] : memref<50000x128xf32, #tpu.memory_space<hbm>> -> memref<50000x128xf32, #tpu.memory_space<hbm>>
      tpu.wait_indirect_dma semaphore(%arg7 : memref<!tpu.dma_semaphore, #tpu.memory_space<semaphore_mem>>) src(%dma_wait3A_83 : memref<50000x128xf32, #tpu.memory_space<hbm>>) dst(%dma_wait3A_79 : memref<128x128xf32, #tpu.memory_space<vmem>>)
      %mul3A_84 = arith.constant 128 : i32
      %mul3A_85 = arith.muli %mul3A_13, %mul3A_84 : i32
      %add3A_86 = arith.addi %mul3A_2, %mul3A_85 : i32
      "tpu.region"() ({
        %run_scoped3A = tpu.sem_alloc : memref<!tpu.dma_semaphore, #tpu.memory_space<semaphore_mem>>
        %dma_start3A_87 = arith.constant 0 : i32
        %dma_start3A_88 = tpu.memref_slice %arg4[%add3A_86, %dma_start3A_87] : memref<131072x128xf32, #tpu.memory_space<hbm>> -> memref<512x128xf32, #tpu.memory_space<hbm>>
        %dma_start3A_89 = arith.constant 0 : i32
        %dma_start3A_90 = tpu.memref_slice %arg4[%add3A_86, %dma_start3A_89] : memref<131072x128xf32, #tpu.memory_space<hbm>> -> memref<512x128xf32, #tpu.memory_space<hbm>>
        tpu.enqueue_dma source(%arg6 : memref<512x128xf32, #tpu.memory_space<vmem>>) target(%dma_start3A_90 : memref<512x128xf32, #tpu.memory_space<hbm>>) target_semaphore(%run_scoped3A : memref<!tpu.dma_semaphore, #tpu.memory_space<semaphore_mem>>)
        %dma_wait3A_91 = arith.constant 0 : i32
        %dma_wait3A_92 = tpu.memref_slice %arg4[%add3A_86, %dma_wait3A_91] : memref<131072x128xf32, #tpu.memory_space<hbm>> -> memref<512x128xf32, #tpu.memory_space<hbm>>
        %dma_wait3A_93 = arith.constant 0 : i32
        %dma_wait3A_94 = tpu.memref_slice %arg4[%add3A_86, %dma_wait3A_93] : memref<131072x128xf32, #tpu.memory_space<hbm>> -> memref<512x128xf32, #tpu.memory_space<hbm>>
        tpu.wait_dma2 semaphore(%run_scoped3A : memref<!tpu.dma_semaphore, #tpu.memory_space<semaphore_mem>>) src(%arg6 : memref<512x128xf32, #tpu.memory_space<vmem>>) dst(%dma_wait3A_94 : memref<512x128xf32, #tpu.memory_space<hbm>>)
        tpu.yield
      }) : () -> ()
    }
    %scan3A_6 = arith.constant 8 : i32
    return
  }
}

#map = affine_map<(d0, d1) -> (0, 0)>
#map1 = affine_map<(d0, d1) -> (0)>
module attributes {stable_mosaic.version = 14 : i64} {
  func.func @scatter_k(%arg0: i32, %arg1: i32, %arg2: memref<131072x128xf32, #tpu.memory_space<hbm>>, %arg3: memref<2097152xi32, #tpu.memory_space<hbm>>, %arg4: memref<784x128xf32, #tpu.memory_space<hbm>>, %arg5: memref<25088x128xf32, #tpu.memory_space<hbm>>, %arg6: memref<128xi32, #tpu.memory_space<vmem>>, %arg7: memref<128x128xf32, #tpu.memory_space<vmem>>, %arg8: memref<12552x128xf32, #tpu.memory_space<vmem_shared>>) attributes {dimension_semantics = [#tpu.dimension_semantics<core_parallel>, #tpu.dimension_semantics<subcore_parallel>], iteration_bounds = array<i64: 2, 16>, scalar_prefetch = 0 : i64, scratch_operands = 3 : i64, tpu.core_type = #tpu.core_type<sc_vector_subcore>, window_params = [{transform_indices = #map}, {transform_indices = #map1}, {transform_indices = #map}, {transform_indices = #map}]} {
    %mul3A = arith.constant 784 : i32
    %mul3A_0 = arith.muli %arg1, %mul3A : i32
    "tpu.region"() ({
      %run_scoped3A = tpu.sem_alloc : memref<!tpu.dma_semaphore, #tpu.memory_space<semaphore_mem>>
      %dma_start3A = arith.constant 0 : i32
      %dma_start3A_12 = tpu.memref_slice %arg8[%mul3A_0, %dma_start3A] : memref<12552x128xf32, #tpu.memory_space<vmem_shared>> -> memref<784x128xf32, #tpu.memory_space<vmem_shared>>
      tpu.enqueue_dma source(%arg4 : memref<784x128xf32, #tpu.memory_space<hbm>>) target(%dma_start3A_12 : memref<784x128xf32, #tpu.memory_space<vmem_shared>>) target_semaphore(%run_scoped3A : memref<!tpu.dma_semaphore, #tpu.memory_space<semaphore_mem>>)
      %dma_wait3A = arith.constant 0 : i32
      %dma_wait3A_13 = tpu.memref_slice %arg8[%mul3A_0, %dma_wait3A] : memref<12552x128xf32, #tpu.memory_space<vmem_shared>> -> memref<784x128xf32, #tpu.memory_space<vmem_shared>>
      tpu.wait_dma2 semaphore(%run_scoped3A : memref<!tpu.dma_semaphore, #tpu.memory_space<semaphore_mem>>) src(%arg4 : memref<784x128xf32, #tpu.memory_space<hbm>>) dst(%dma_wait3A_13 : memref<784x128xf32, #tpu.memory_space<vmem_shared>>)
      tpu.yield
    }) : () -> ()
    %barrier3A = arith.constant 0 : index
    tpu.barrier barrier_id(%barrier3A)
    %scan3A = arith.constant 0 : i32
    %scan3A_1 = arith.constant 64 : i32
    %scan3A_2 = arith.addi %scan3A, %scan3A_1 : i32
    %scan3A_3 = arith.constant 1 : i32
    scf.for %scan3A_12 = %scan3A to %scan3A_2 step %scan3A_3  : i32 {
      %mul3A_13 = arith.constant 1 : i32
      %mul3A_14 = arith.muli %scan3A_12, %mul3A_13 : i32
      %add3A_15 = arith.constant 0 : i32
      %add3A_16 = arith.addi %add3A_15, %mul3A_14 : i32
      %mul3A_17 = arith.constant 16 : i32
      %mul3A_18 = arith.muli %arg0, %mul3A_17 : i32
      %add3A_19 = arith.addi %mul3A_18, %arg1 : i32
      %mul3A_20 = arith.constant 64 : i32
      %mul3A_21 = arith.muli %add3A_19, %mul3A_20 : i32
      %add3A_22 = arith.addi %mul3A_21, %add3A_16 : i32
      %mul3A_23 = arith.constant 1024 : i32
      %mul3A_24 = arith.muli %add3A_22, %mul3A_23 : i32
      "tpu.region"() ({
        %run_scoped3A = tpu.sem_alloc : memref<!tpu.dma_semaphore, #tpu.memory_space<semaphore_mem>>
        %dma_start3A = tpu.memref_slice %arg3[%mul3A_24] : memref<2097152xi32, #tpu.memory_space<hbm>> -> memref<128xi32, #tpu.memory_space<hbm>>
        %dma_start3A_30 = tpu.memref_slice %arg3[%mul3A_24] : memref<2097152xi32, #tpu.memory_space<hbm>> -> memref<128xi32, #tpu.memory_space<hbm>>
        tpu.enqueue_dma source(%dma_start3A_30 : memref<128xi32, #tpu.memory_space<hbm>>) target(%arg6 : memref<128xi32, #tpu.memory_space<vmem>>) target_semaphore(%run_scoped3A : memref<!tpu.dma_semaphore, #tpu.memory_space<semaphore_mem>>)
        %dma_wait3A = tpu.memref_slice %arg3[%mul3A_24] : memref<2097152xi32, #tpu.memory_space<hbm>> -> memref<128xi32, #tpu.memory_space<hbm>>
        %dma_wait3A_31 = tpu.memref_slice %arg3[%mul3A_24] : memref<2097152xi32, #tpu.memory_space<hbm>> -> memref<128xi32, #tpu.memory_space<hbm>>
        tpu.wait_dma2 semaphore(%run_scoped3A : memref<!tpu.dma_semaphore, #tpu.memory_space<semaphore_mem>>) src(%dma_wait3A_31 : memref<128xi32, #tpu.memory_space<hbm>>) dst(%arg6 : memref<128xi32, #tpu.memory_space<vmem>>)
        tpu.yield
      }) : () -> ()
      %mul3A_25 = arith.constant 8192 : i32
      %mul3A_26 = arith.muli %arg1, %mul3A_25 : i32
      %mul3A_27 = arith.constant 128 : i32
      %mul3A_28 = arith.muli %add3A_16, %mul3A_27 : i32
      %add3A_29 = arith.addi %mul3A_26, %mul3A_28 : i32
      "tpu.region"() ({
        %run_scoped3A = tpu.sem_alloc : memref<!tpu.dma_semaphore, #tpu.memory_space<semaphore_mem>>
        %dma_start3A = arith.constant 0 : i32
        %dma_start3A_30 = tpu.memref_slice %arg2[%add3A_29, %dma_start3A] : memref<131072x128xf32, #tpu.memory_space<hbm>> -> memref<128x128xf32, #tpu.memory_space<hbm>>
        %dma_start3A_31 = arith.constant 0 : i32
        %dma_start3A_32 = tpu.memref_slice %arg2[%add3A_29, %dma_start3A_31] : memref<131072x128xf32, #tpu.memory_space<hbm>> -> memref<128x128xf32, #tpu.memory_space<hbm>>
        tpu.enqueue_dma source(%dma_start3A_32 : memref<128x128xf32, #tpu.memory_space<hbm>>) target(%arg7 : memref<128x128xf32, #tpu.memory_space<vmem>>) target_semaphore(%run_scoped3A : memref<!tpu.dma_semaphore, #tpu.memory_space<semaphore_mem>>)
        %dma_wait3A = arith.constant 0 : i32
        %dma_wait3A_33 = tpu.memref_slice %arg2[%add3A_29, %dma_wait3A] : memref<131072x128xf32, #tpu.memory_space<hbm>> -> memref<128x128xf32, #tpu.memory_space<hbm>>
        %dma_wait3A_34 = arith.constant 0 : i32
        %dma_wait3A_35 = tpu.memref_slice %arg2[%add3A_29, %dma_wait3A_34] : memref<131072x128xf32, #tpu.memory_space<hbm>> -> memref<128x128xf32, #tpu.memory_space<hbm>>
        tpu.wait_dma2 semaphore(%run_scoped3A : memref<!tpu.dma_semaphore, #tpu.memory_space<semaphore_mem>>) src(%dma_wait3A_35 : memref<128x128xf32, #tpu.memory_space<hbm>>) dst(%arg7 : memref<128x128xf32, #tpu.memory_space<vmem>>)
        tpu.yield
      }) : () -> ()
      "tpu.region"() ({
        %run_scoped3A = tpu.sem_alloc : memref<!tpu.dma_semaphore, #tpu.memory_space<semaphore_mem>>
        %dma_start3A = arith.constant 0 : i32
        %dma_start3A_30 = arith.constant 0 : i32
        %dma_start3A_31 = tpu.memref_slice %arg8[%dma_start3A, %dma_start3A_30] : memref<12552x128xf32, #tpu.memory_space<vmem_shared>> -> memref<12552x128xf32, #tpu.memory_space<vmem_shared>>
        tpu.enqueue_indirect_dma source(%arg7 : memref<128x128xf32, #tpu.memory_space<vmem>>) target(%dma_start3A_31 : memref<12552x128xf32, #tpu.memory_space<vmem_shared>>) offsets(%arg6 : memref<128xi32, #tpu.memory_space<vmem>>) semaphore(%run_scoped3A : memref<!tpu.dma_semaphore, #tpu.memory_space<semaphore_mem>>) {add = true}
        %dma_wait3A = arith.constant 0 : i32
        %dma_wait3A_32 = arith.constant 0 : i32
        %dma_wait3A_33 = tpu.memref_slice %arg8[%dma_wait3A, %dma_wait3A_32] : memref<12552x128xf32, #tpu.memory_space<vmem_shared>> -> memref<12552x128xf32, #tpu.memory_space<vmem_shared>>
        tpu.wait_indirect_dma semaphore(%run_scoped3A : memref<!tpu.dma_semaphore, #tpu.memory_space<semaphore_mem>>) src(%arg7 : memref<128x128xf32, #tpu.memory_space<vmem>>) dst(%dma_wait3A_33 : memref<12552x128xf32, #tpu.memory_space<vmem_shared>>)
        tpu.yield
      }) : () -> ()
    }
    %scan3A_4 = arith.constant 64 : i32
    %barrier3A_5 = arith.constant 0 : index
    tpu.barrier barrier_id(%barrier3A_5)
    %mul3A_6 = arith.constant 784 : i32
    %mul3A_7 = arith.muli %arg1, %mul3A_6 : i32
    %mul3A_8 = arith.constant 12544 : i32
    %mul3A_9 = arith.muli %arg0, %mul3A_8 : i32
    %mul3A_10 = arith.constant 784 : i32
    %mul3A_11 = arith.muli %arg1, %mul3A_10 : i32
    %add3A = arith.addi %mul3A_9, %mul3A_11 : i32
    "tpu.region"() ({
      %run_scoped3A = tpu.sem_alloc : memref<!tpu.dma_semaphore, #tpu.memory_space<semaphore_mem>>
      %dma_start3A = arith.constant 0 : i32
      %dma_start3A_12 = tpu.memref_slice %arg5[%add3A, %dma_start3A] : memref<25088x128xf32, #tpu.memory_space<hbm>> -> memref<784x128xf32, #tpu.memory_space<hbm>>
      %dma_start3A_13 = arith.constant 0 : i32
      %dma_start3A_14 = tpu.memref_slice %arg8[%mul3A_7, %dma_start3A_13] : memref<12552x128xf32, #tpu.memory_space<vmem_shared>> -> memref<784x128xf32, #tpu.memory_space<vmem_shared>>
      tpu.enqueue_dma source(%dma_start3A_14 : memref<784x128xf32, #tpu.memory_space<vmem_shared>>) target(%dma_start3A_12 : memref<784x128xf32, #tpu.memory_space<hbm>>) target_semaphore(%run_scoped3A : memref<!tpu.dma_semaphore, #tpu.memory_space<semaphore_mem>>)
      %dma_wait3A = arith.constant 0 : i32
      %dma_wait3A_15 = tpu.memref_slice %arg5[%add3A, %dma_wait3A] : memref<25088x128xf32, #tpu.memory_space<hbm>> -> memref<784x128xf32, #tpu.memory_space<hbm>>
      %dma_wait3A_16 = arith.constant 0 : i32
      %dma_wait3A_17 = tpu.memref_slice %arg8[%mul3A_7, %dma_wait3A_16] : memref<12552x128xf32, #tpu.memory_space<vmem_shared>> -> memref<784x128xf32, #tpu.memory_space<vmem_shared>>
      tpu.wait_dma2 semaphore(%run_scoped3A : memref<!tpu.dma_semaphore, #tpu.memory_space<semaphore_mem>>) src(%dma_wait3A_17 : memref<784x128xf32, #tpu.memory_space<vmem_shared>>) dst(%dma_wait3A_15 : memref<784x128xf32, #tpu.memory_space<hbm>>)
      tpu.yield
    }) : () -> ()
    return
  }
}

#map = affine_map<(d0, d1) -> (0, 0)>
#map1 = affine_map<(d0, d1) -> (0)>
module attributes {stable_mosaic.version = 14 : i64} {
  func.func @gather_k(%arg0: i32, %arg1: i32, %arg2: memref<100000x128xf32, #tpu.memory_space<hbm>>, %arg3: memref<131072xi32, #tpu.memory_space<hbm>>, %arg4: memref<131072x128xf32, #tpu.memory_space<hbm>>, %arg5: memref<4096xi32, #tpu.memory_space<vmem>>, %arg6: memref<512x128xf32, #tpu.memory_space<vmem>>, %arg7: memref<!tpu.dma_semaphore, #tpu.memory_space<semaphore_mem>>) attributes {dimension_semantics = [#tpu.dimension_semantics<core_parallel>, #tpu.dimension_semantics<subcore_parallel>], iteration_bounds = array<i64: 2, 16>, scalar_prefetch = 0 : i64, scratch_operands = 3 : i64, tpu.core_type = #tpu.core_type<sc_vector_subcore>, window_params = [{transform_indices = #map}, {transform_indices = #map1}, {transform_indices = #map}]} {
    %mul3A = arith.constant 2 : i32
    %mul3A_0 = arith.muli %arg1, %mul3A : i32
    %add3A = arith.addi %mul3A_0, %arg0 : i32
    %mul3A_1 = arith.constant 4096 : i32
    %mul3A_2 = arith.muli %add3A, %mul3A_1 : i32
    "tpu.region"() ({
      %run_scoped3A = tpu.sem_alloc : memref<!tpu.dma_semaphore, #tpu.memory_space<semaphore_mem>>
      %dma_start3A = tpu.memref_slice %arg3[%mul3A_2] : memref<131072xi32, #tpu.memory_space<hbm>> -> memref<4096xi32, #tpu.memory_space<hbm>>
      %dma_start3A_7 = tpu.memref_slice %arg3[%mul3A_2] : memref<131072xi32, #tpu.memory_space<hbm>> -> memref<4096xi32, #tpu.memory_space<hbm>>
      tpu.enqueue_dma source(%dma_start3A_7 : memref<4096xi32, #tpu.memory_space<hbm>>) target(%arg5 : memref<4096xi32, #tpu.memory_space<vmem>>) target_semaphore(%run_scoped3A : memref<!tpu.dma_semaphore, #tpu.memory_space<semaphore_mem>>)
      %dma_wait3A = tpu.memref_slice %arg3[%mul3A_2] : memref<131072xi32, #tpu.memory_space<hbm>> -> memref<4096xi32, #tpu.memory_space<hbm>>
      %dma_wait3A_8 = tpu.memref_slice %arg3[%mul3A_2] : memref<131072xi32, #tpu.memory_space<hbm>> -> memref<4096xi32, #tpu.memory_space<hbm>>
      tpu.wait_dma2 semaphore(%run_scoped3A : memref<!tpu.dma_semaphore, #tpu.memory_space<semaphore_mem>>) src(%dma_wait3A_8 : memref<4096xi32, #tpu.memory_space<hbm>>) dst(%arg5 : memref<4096xi32, #tpu.memory_space<vmem>>)
      tpu.yield
    }) : () -> ()
    %scan3A = arith.constant 0 : i32
    %scan3A_3 = arith.constant 8 : i32
    %scan3A_4 = arith.addi %scan3A, %scan3A_3 : i32
    %scan3A_5 = arith.constant 1 : i32
    scf.for %scan3A_7 = %scan3A to %scan3A_4 step %scan3A_5  : i32 {
      %mul3A_8 = arith.constant 1 : i32
      %mul3A_9 = arith.muli %scan3A_7, %mul3A_8 : i32
      %add3A_10 = arith.constant 0 : i32
      %add3A_11 = arith.addi %add3A_10, %mul3A_9 : i32
      %mul3A_12 = arith.constant 4 : i32
      %mul3A_13 = arith.muli %add3A_11, %mul3A_12 : i32
      %add3A_14 = arith.constant 0 : i32
      %add3A_15 = arith.addi %mul3A_13, %add3A_14 : i32
      %mul3A_16 = arith.constant 128 : i32
      %mul3A_17 = arith.muli %add3A_15, %mul3A_16 : i32
      %dma_start3A = arith.constant 0 : i32
      %dma_start3A_18 = arith.constant 0 : i32
      %dma_start3A_19 = tpu.memref_slice %arg6[%dma_start3A, %dma_start3A_18] : memref<512x128xf32, #tpu.memory_space<vmem>> -> memref<128x128xf32, #tpu.memory_space<vmem>>
      %dma_start3A_20 = tpu.memref_slice %arg5[%mul3A_17] : memref<4096xi32, #tpu.memory_space<vmem>> -> memref<128xi32, #tpu.memory_space<vmem>>
      %dma_start3A_21 = arith.constant 0 : i32
      %dma_start3A_22 = arith.constant 0 : i32
      %dma_start3A_23 = tpu.memref_slice %arg2[%dma_start3A_21, %dma_start3A_22] : memref<100000x128xf32, #tpu.memory_space<hbm>> -> memref<100000x128xf32, #tpu.memory_space<hbm>>
      tpu.enqueue_indirect_dma source(%dma_start3A_23 : memref<100000x128xf32, #tpu.memory_space<hbm>>) target(%dma_start3A_19 : memref<128x128xf32, #tpu.memory_space<vmem>>) offsets(%dma_start3A_20 : memref<128xi32, #tpu.memory_space<vmem>>) semaphore(%arg7 : memref<!tpu.dma_semaphore, #tpu.memory_space<semaphore_mem>>)
      %add3A_24 = arith.constant 1 : i32
      %add3A_25 = arith.addi %mul3A_13, %add3A_24 : i32
      %mul3A_26 = arith.constant 128 : i32
      %mul3A_27 = arith.muli %add3A_25, %mul3A_26 : i32
      %dma_start3A_28 = arith.constant 128 : i32
      %dma_start3A_29 = arith.constant 0 : i32
      %dma_start3A_30 = tpu.memref_slice %arg6[%dma_start3A_28, %dma_start3A_29] : memref<512x128xf32, #tpu.memory_space<vmem>> -> memref<128x128xf32, #tpu.memory_space<vmem>>
      %dma_start3A_31 = tpu.memref_slice %arg5[%mul3A_27] : memref<4096xi32, #tpu.memory_space<vmem>> -> memref<128xi32, #tpu.memory_space<vmem>>
      %dma_start3A_32 = arith.constant 0 : i32
      %dma_start3A_33 = arith.constant 0 : i32
      %dma_start3A_34 = tpu.memref_slice %arg2[%dma_start3A_32, %dma_start3A_33] : memref<100000x128xf32, #tpu.memory_space<hbm>> -> memref<100000x128xf32, #tpu.memory_space<hbm>>
      tpu.enqueue_indirect_dma source(%dma_start3A_34 : memref<100000x128xf32, #tpu.memory_space<hbm>>) target(%dma_start3A_30 : memref<128x128xf32, #tpu.memory_space<vmem>>) offsets(%dma_start3A_31 : memref<128xi32, #tpu.memory_space<vmem>>) semaphore(%arg7 : memref<!tpu.dma_semaphore, #tpu.memory_space<semaphore_mem>>)
      %add3A_35 = arith.constant 2 : i32
      %add3A_36 = arith.addi %mul3A_13, %add3A_35 : i32
      %mul3A_37 = arith.constant 128 : i32
      %mul3A_38 = arith.muli %add3A_36, %mul3A_37 : i32
      %dma_start3A_39 = arith.constant 256 : i32
      %dma_start3A_40 = arith.constant 0 : i32
      %dma_start3A_41 = tpu.memref_slice %arg6[%dma_start3A_39, %dma_start3A_40] : memref<512x128xf32, #tpu.memory_space<vmem>> -> memref<128x128xf32, #tpu.memory_space<vmem>>
      %dma_start3A_42 = tpu.memref_slice %arg5[%mul3A_38] : memref<4096xi32, #tpu.memory_space<vmem>> -> memref<128xi32, #tpu.memory_space<vmem>>
      %dma_start3A_43 = arith.constant 0 : i32
      %dma_start3A_44 = arith.constant 0 : i32
      %dma_start3A_45 = tpu.memref_slice %arg2[%dma_start3A_43, %dma_start3A_44] : memref<100000x128xf32, #tpu.memory_space<hbm>> -> memref<100000x128xf32, #tpu.memory_space<hbm>>
      tpu.enqueue_indirect_dma source(%dma_start3A_45 : memref<100000x128xf32, #tpu.memory_space<hbm>>) target(%dma_start3A_41 : memref<128x128xf32, #tpu.memory_space<vmem>>) offsets(%dma_start3A_42 : memref<128xi32, #tpu.memory_space<vmem>>) semaphore(%arg7 : memref<!tpu.dma_semaphore, #tpu.memory_space<semaphore_mem>>)
      %add3A_46 = arith.constant 3 : i32
      %add3A_47 = arith.addi %mul3A_13, %add3A_46 : i32
      %mul3A_48 = arith.constant 128 : i32
      %mul3A_49 = arith.muli %add3A_47, %mul3A_48 : i32
      %dma_start3A_50 = arith.constant 384 : i32
      %dma_start3A_51 = arith.constant 0 : i32
      %dma_start3A_52 = tpu.memref_slice %arg6[%dma_start3A_50, %dma_start3A_51] : memref<512x128xf32, #tpu.memory_space<vmem>> -> memref<128x128xf32, #tpu.memory_space<vmem>>
      %dma_start3A_53 = tpu.memref_slice %arg5[%mul3A_49] : memref<4096xi32, #tpu.memory_space<vmem>> -> memref<128xi32, #tpu.memory_space<vmem>>
      %dma_start3A_54 = arith.constant 0 : i32
      %dma_start3A_55 = arith.constant 0 : i32
      %dma_start3A_56 = tpu.memref_slice %arg2[%dma_start3A_54, %dma_start3A_55] : memref<100000x128xf32, #tpu.memory_space<hbm>> -> memref<100000x128xf32, #tpu.memory_space<hbm>>
      tpu.enqueue_indirect_dma source(%dma_start3A_56 : memref<100000x128xf32, #tpu.memory_space<hbm>>) target(%dma_start3A_52 : memref<128x128xf32, #tpu.memory_space<vmem>>) offsets(%dma_start3A_53 : memref<128xi32, #tpu.memory_space<vmem>>) semaphore(%arg7 : memref<!tpu.dma_semaphore, #tpu.memory_space<semaphore_mem>>)
      %dma_wait3A = arith.constant 0 : i32
      %dma_wait3A_57 = arith.constant 0 : i32
      %dma_wait3A_58 = tpu.memref_slice %arg6[%dma_wait3A, %dma_wait3A_57] : memref<512x128xf32, #tpu.memory_space<vmem>> -> memref<128x128xf32, #tpu.memory_space<vmem>>
      %dma_wait3A_59 = tpu.memref_slice %arg5[%mul3A_17] : memref<4096xi32, #tpu.memory_space<vmem>> -> memref<128xi32, #tpu.memory_space<vmem>>
      %dma_wait3A_60 = arith.constant 0 : i32
      %dma_wait3A_61 = arith.constant 0 : i32
      %dma_wait3A_62 = tpu.memref_slice %arg2[%dma_wait3A_60, %dma_wait3A_61] : memref<100000x128xf32, #tpu.memory_space<hbm>> -> memref<100000x128xf32, #tpu.memory_space<hbm>>
      tpu.wait_indirect_dma semaphore(%arg7 : memref<!tpu.dma_semaphore, #tpu.memory_space<semaphore_mem>>) src(%dma_wait3A_62 : memref<100000x128xf32, #tpu.memory_space<hbm>>) dst(%dma_wait3A_58 : memref<128x128xf32, #tpu.memory_space<vmem>>)
      %dma_wait3A_63 = arith.constant 128 : i32
      %dma_wait3A_64 = arith.constant 0 : i32
      %dma_wait3A_65 = tpu.memref_slice %arg6[%dma_wait3A_63, %dma_wait3A_64] : memref<512x128xf32, #tpu.memory_space<vmem>> -> memref<128x128xf32, #tpu.memory_space<vmem>>
      %dma_wait3A_66 = tpu.memref_slice %arg5[%mul3A_27] : memref<4096xi32, #tpu.memory_space<vmem>> -> memref<128xi32, #tpu.memory_space<vmem>>
      %dma_wait3A_67 = arith.constant 0 : i32
      %dma_wait3A_68 = arith.constant 0 : i32
      %dma_wait3A_69 = tpu.memref_slice %arg2[%dma_wait3A_67, %dma_wait3A_68] : memref<100000x128xf32, #tpu.memory_space<hbm>> -> memref<100000x128xf32, #tpu.memory_space<hbm>>
      tpu.wait_indirect_dma semaphore(%arg7 : memref<!tpu.dma_semaphore, #tpu.memory_space<semaphore_mem>>) src(%dma_wait3A_69 : memref<100000x128xf32, #tpu.memory_space<hbm>>) dst(%dma_wait3A_65 : memref<128x128xf32, #tpu.memory_space<vmem>>)
      %dma_wait3A_70 = arith.constant 256 : i32
      %dma_wait3A_71 = arith.constant 0 : i32
      %dma_wait3A_72 = tpu.memref_slice %arg6[%dma_wait3A_70, %dma_wait3A_71] : memref<512x128xf32, #tpu.memory_space<vmem>> -> memref<128x128xf32, #tpu.memory_space<vmem>>
      %dma_wait3A_73 = tpu.memref_slice %arg5[%mul3A_38] : memref<4096xi32, #tpu.memory_space<vmem>> -> memref<128xi32, #tpu.memory_space<vmem>>
      %dma_wait3A_74 = arith.constant 0 : i32
      %dma_wait3A_75 = arith.constant 0 : i32
      %dma_wait3A_76 = tpu.memref_slice %arg2[%dma_wait3A_74, %dma_wait3A_75] : memref<100000x128xf32, #tpu.memory_space<hbm>> -> memref<100000x128xf32, #tpu.memory_space<hbm>>
      tpu.wait_indirect_dma semaphore(%arg7 : memref<!tpu.dma_semaphore, #tpu.memory_space<semaphore_mem>>) src(%dma_wait3A_76 : memref<100000x128xf32, #tpu.memory_space<hbm>>) dst(%dma_wait3A_72 : memref<128x128xf32, #tpu.memory_space<vmem>>)
      %dma_wait3A_77 = arith.constant 384 : i32
      %dma_wait3A_78 = arith.constant 0 : i32
      %dma_wait3A_79 = tpu.memref_slice %arg6[%dma_wait3A_77, %dma_wait3A_78] : memref<512x128xf32, #tpu.memory_space<vmem>> -> memref<128x128xf32, #tpu.memory_space<vmem>>
      %dma_wait3A_80 = tpu.memref_slice %arg5[%mul3A_49] : memref<4096xi32, #tpu.memory_space<vmem>> -> memref<128xi32, #tpu.memory_space<vmem>>
      %dma_wait3A_81 = arith.constant 0 : i32
      %dma_wait3A_82 = arith.constant 0 : i32
      %dma_wait3A_83 = tpu.memref_slice %arg2[%dma_wait3A_81, %dma_wait3A_82] : memref<100000x128xf32, #tpu.memory_space<hbm>> -> memref<100000x128xf32, #tpu.memory_space<hbm>>
      tpu.wait_indirect_dma semaphore(%arg7 : memref<!tpu.dma_semaphore, #tpu.memory_space<semaphore_mem>>) src(%dma_wait3A_83 : memref<100000x128xf32, #tpu.memory_space<hbm>>) dst(%dma_wait3A_79 : memref<128x128xf32, #tpu.memory_space<vmem>>)
      %mul3A_84 = arith.constant 128 : i32
      %mul3A_85 = arith.muli %mul3A_13, %mul3A_84 : i32
      %add3A_86 = arith.addi %mul3A_2, %mul3A_85 : i32
      "tpu.region"() ({
        %run_scoped3A = tpu.sem_alloc : memref<!tpu.dma_semaphore, #tpu.memory_space<semaphore_mem>>
        %dma_start3A_87 = arith.constant 0 : i32
        %dma_start3A_88 = tpu.memref_slice %arg4[%add3A_86, %dma_start3A_87] : memref<131072x128xf32, #tpu.memory_space<hbm>> -> memref<512x128xf32, #tpu.memory_space<hbm>>
        %dma_start3A_89 = arith.constant 0 : i32
        %dma_start3A_90 = tpu.memref_slice %arg4[%add3A_86, %dma_start3A_89] : memref<131072x128xf32, #tpu.memory_space<hbm>> -> memref<512x128xf32, #tpu.memory_space<hbm>>
        tpu.enqueue_dma source(%arg6 : memref<512x128xf32, #tpu.memory_space<vmem>>) target(%dma_start3A_90 : memref<512x128xf32, #tpu.memory_space<hbm>>) target_semaphore(%run_scoped3A : memref<!tpu.dma_semaphore, #tpu.memory_space<semaphore_mem>>)
        %dma_wait3A_91 = arith.constant 0 : i32
        %dma_wait3A_92 = tpu.memref_slice %arg4[%add3A_86, %dma_wait3A_91] : memref<131072x128xf32, #tpu.memory_space<hbm>> -> memref<512x128xf32, #tpu.memory_space<hbm>>
        %dma_wait3A_93 = arith.constant 0 : i32
        %dma_wait3A_94 = tpu.memref_slice %arg4[%add3A_86, %dma_wait3A_93] : memref<131072x128xf32, #tpu.memory_space<hbm>> -> memref<512x128xf32, #tpu.memory_space<hbm>>
        tpu.wait_dma2 semaphore(%run_scoped3A : memref<!tpu.dma_semaphore, #tpu.memory_space<semaphore_mem>>) src(%arg6 : memref<512x128xf32, #tpu.memory_space<vmem>>) dst(%dma_wait3A_94 : memref<512x128xf32, #tpu.memory_space<hbm>>)
        tpu.yield
      }) : () -> ()
    }
    %scan3A_6 = arith.constant 8 : i32
    return
  }
}

module attributes {stable_mosaic.version = 14 : i64} {
  func.func @_encode_kernel(%arg0: i32, %arg1: memref<2000x209xf32, #tpu.memory_space<vmem>>, %arg2: memref<209x128xf32, #tpu.memory_space<vmem>>, %arg3: memref<1x128xf32, #tpu.memory_space<vmem>>, %arg4: memref<128x64xf32, #tpu.memory_space<vmem>>, %arg5: memref<2000x128xf32, #tpu.memory_space<vmem>>, %arg6: memref<2000x64xf32, #tpu.memory_space<vmem>>) attributes {dimension_semantics = [#tpu.dimension_semantics<arbitrary>], iteration_bounds = array<i64: 50>, scalar_prefetch = 0 : i64, scratch_operands = 0 : i64, tpu.core_type = #tpu.core_type<tc>, window_params = [{transform_indices = @transform_0, window_bounds = array<i64: 2000, 209>}, {pipeline_mode = #tpu.pipeline_mode<synchronous>, transform_indices = @transform_1, window_bounds = array<i64: 209, 128>}, {pipeline_mode = #tpu.pipeline_mode<synchronous>, transform_indices = @transform_2, window_bounds = array<i64: 1, 128>}, {pipeline_mode = #tpu.pipeline_mode<synchronous>, transform_indices = @transform_3, window_bounds = array<i64: 128, 64>}, {transform_indices = @transform_4, window_bounds = array<i64: 2000, 128>}, {transform_indices = @transform_5, window_bounds = array<i64: 2000, 64>}]} {
    %get3A = arith.constant 0 : index
    %get3A_0 = arith.constant 0 : index
    %get3A_1 = vector.load %arg1[%get3A, %get3A_0] : memref<2000x209xf32, #tpu.memory_space<vmem>>, vector<2000x209xf32>
    %get3A_2 = arith.constant 0 : index
    %get3A_3 = arith.constant 0 : index
    %get3A_4 = vector.load %arg2[%get3A_2, %get3A_3] : memref<209x128xf32, #tpu.memory_space<vmem>>, vector<209x128xf32>
    %dot_general3A = arith.constant dense<0.000000e+00> : vector<2000x128xf32>
    %dot_general3A_5 = tpu.matmul %get3A_1, %get3A_4, %dot_general3A {dimension_numbers = #tpu.dot_dimension_numbers<[1], [0], [0], [1], [0, 0, 1, 1], [], []>, transpose_lhs_hint = false} : vector<2000x209xf32>, vector<209x128xf32>, vector<2000x128xf32> -> vector<2000x128xf32>
    %get3A_6 = arith.constant 0 : index
    %get3A_7 = arith.constant 0 : index
    %get3A_8 = vector.load %arg3[%get3A_6, %get3A_7] : memref<1x128xf32, #tpu.memory_space<vmem>>, vector<1x128xf32>
    %add3A = vector.broadcast %get3A_8 : vector<1x128xf32> to vector<2000x128xf32>
    %add3A_9 = arith.addf %dot_general3A_5, %add3A : vector<2000x128xf32>
    %max3A = arith.constant 0.000000e+00 : f32
    %max3A_10 = vector.broadcast %max3A : f32 to vector<2000x128xf32>
    %max3A_11 = arith.maximumf %add3A_9, %max3A_10 : vector<2000x128xf32>
    %swap3A = arith.constant 0 : index
    %swap3A_12 = arith.constant 0 : index
    %swap3A_13 = vector.load %arg5[%swap3A, %swap3A_12] : memref<2000x128xf32, #tpu.memory_space<vmem>>, vector<2000x128xf32>
    tpu.vector_store %arg5[%swap3A, %swap3A_12], %max3A_11 {strides = array<i32>} : memref<2000x128xf32, #tpu.memory_space<vmem>>, vector<2000x128xf32>,
    %get3A_14 = arith.constant 0 : index
    %get3A_15 = arith.constant 0 : index
    %get3A_16 = vector.load %arg4[%get3A_14, %get3A_15] : memref<128x64xf32, #tpu.memory_space<vmem>>, vector<128x64xf32>
    %dot_general3A_17 = arith.constant dense<0.000000e+00> : vector<2000x64xf32>
    %dot_general3A_18 = tpu.matmul %max3A_11, %get3A_16, %dot_general3A_17 {dimension_numbers = #tpu.dot_dimension_numbers<[1], [0], [0], [1], [0, 0, 1, 1], [], []>, transpose_lhs_hint = false} : vector<2000x128xf32>, vector<128x64xf32>, vector<2000x64xf32> -> vector<2000x64xf32>
    %swap3A_19 = arith.constant 0 : index
    %swap3A_20 = arith.constant 0 : index
    %swap3A_21 = vector.load %arg6[%swap3A_19, %swap3A_20] : memref<2000x64xf32, #tpu.memory_space<vmem>>, vector<2000x64xf32>
    tpu.vector_store %arg6[%swap3A_19, %swap3A_20], %dot_general3A_18 {strides = array<i32>} : memref<2000x64xf32, #tpu.memory_space<vmem>>, vector<2000x64xf32>,
    return
  }
  func.func @transform_0(%arg0: i32) -> (i32, i32) {
    %c0_i32 = arith.constant 0 : i32
    %c0_i32_0 = arith.constant 0 : i32
    return %arg0, %c0_i32 : i32, i32
  }
  func.func @transform_1(%arg0: i32) -> (i32, i32) {
    %c0_i32 = arith.constant 0 : i32
    %c0_i32_0 = arith.constant 0 : i32
    %c0_i32_1 = arith.constant 0 : i32
    return %c0_i32, %c0_i32_0 : i32, i32
  }
  func.func @transform_2(%arg0: i32) -> (i32, i32) {
    %c0_i32 = arith.constant 0 : i32
    %c0_i32_0 = arith.constant 0 : i32
    %c0_i32_1 = arith.constant 0 : i32
    return %c0_i32, %c0_i32_0 : i32, i32
  }
  func.func @transform_3(%arg0: i32) -> (i32, i32) {
    %c0_i32 = arith.constant 0 : i32
    %c0_i32_0 = arith.constant 0 : i32
    %c0_i32_1 = arith.constant 0 : i32
    return %c0_i32, %c0_i32_0 : i32, i32
  }
  func.func @transform_4(%arg0: i32) -> (i32, i32) {
    %c0_i32 = arith.constant 0 : i32
    %c0_i32_0 = arith.constant 0 : i32
    return %arg0, %c0_i32 : i32, i32
  }
  func.func @transform_5(%arg0: i32) -> (i32, i32) {
    %c0_i32 = arith.constant 0 : i32
    %c0_i32_0 = arith.constant 0 : i32
    return %arg0, %c0_i32 : i32, i32
  }
}

module attributes {stable_mosaic.version = 14 : i64} {
  func.func @_combine1_kernel(%arg0: i32, %arg1: memref<1024x12xf32, #tpu.memory_space<vmem>>, %arg2: memref<1024x64xf32, #tpu.memory_space<vmem>>, %arg3: memref<1024x256xf32, #tpu.memory_space<vmem>>, %arg4: memref<12x128xf32, #tpu.memory_space<vmem>>, %arg5: memref<1x128xf32, #tpu.memory_space<vmem>>, %arg6: memref<128x128xf32, #tpu.memory_space<vmem>>, %arg7: memref<256x128xf32, #tpu.memory_space<vmem>>, %arg8: memref<1x128xf32, #tpu.memory_space<vmem>>, %arg9: memref<1024x128xf32, #tpu.memory_space<vmem>>) attributes {dimension_semantics = [#tpu.dimension_semantics<arbitrary>], iteration_bounds = array<i64: 64>, scalar_prefetch = 0 : i64, scratch_operands = 0 : i64, tpu.core_type = #tpu.core_type<tc>, window_params = [{transform_indices = @transform_0, window_bounds = array<i64: 1024, 12>}, {transform_indices = @transform_1, window_bounds = array<i64: 1024, 64>}, {transform_indices = @transform_2, window_bounds = array<i64: 1024, 256>}, {pipeline_mode = #tpu.pipeline_mode<synchronous>, transform_indices = @transform_3, window_bounds = array<i64: 12, 128>}, {pipeline_mode = #tpu.pipeline_mode<synchronous>, transform_indices = @transform_4, window_bounds = array<i64: 1, 128>}, {pipeline_mode = #tpu.pipeline_mode<synchronous>, transform_indices = @transform_5, window_bounds = array<i64: 128, 128>}, {pipeline_mode = #tpu.pipeline_mode<synchronous>, transform_indices = @transform_6, window_bounds = array<i64: 256, 128>}, {pipeline_mode = #tpu.pipeline_mode<synchronous>, transform_indices = @transform_7, window_bounds = array<i64: 1, 128>}, {transform_indices = @transform_8, window_bounds = array<i64: 1024, 128>}]} {
    %get3A = arith.constant 0 : index
    %get3A_0 = arith.constant 0 : index
    %get3A_1 = vector.load %arg1[%get3A, %get3A_0] : memref<1024x12xf32, #tpu.memory_space<vmem>>, vector<1024x12xf32>
    %get3A_2 = arith.constant 0 : index
    %get3A_3 = arith.constant 0 : index
    %get3A_4 = vector.load %arg4[%get3A_2, %get3A_3] : memref<12x128xf32, #tpu.memory_space<vmem>>, vector<12x128xf32>
    %dot_general3A = arith.constant dense<0.000000e+00> : vector<1024x128xf32>
    %dot_general3A_5 = tpu.matmul %get3A_1, %get3A_4, %dot_general3A {dimension_numbers = #tpu.dot_dimension_numbers<[1], [0], [0], [1], [0, 0, 1, 1], [], []>, transpose_lhs_hint = false} : vector<1024x12xf32>, vector<12x128xf32>, vector<1024x128xf32> -> vector<1024x128xf32>
    %get3A_6 = arith.constant 0 : index
    %get3A_7 = arith.constant 0 : index
    %get3A_8 = vector.load %arg5[%get3A_6, %get3A_7] : memref<1x128xf32, #tpu.memory_space<vmem>>, vector<1x128xf32>
    %add3A = vector.broadcast %get3A_8 : vector<1x128xf32> to vector<1024x128xf32>
    %add3A_9 = arith.addf %dot_general3A_5, %add3A : vector<1024x128xf32>
    %max3A = arith.constant 0.000000e+00 : f32
    %max3A_10 = vector.broadcast %max3A : f32 to vector<1024x128xf32>
    %max3A_11 = arith.maximumf %add3A_9, %max3A_10 : vector<1024x128xf32>
    %get3A_12 = arith.constant 0 : index
    %get3A_13 = arith.constant 0 : index
    %get3A_14 = vector.load %arg2[%get3A_12, %get3A_13] : memref<1024x64xf32, #tpu.memory_space<vmem>>, vector<1024x64xf32>
    %concatenate3A = tpu.concatenate %get3A_14, %get3A_14 in 1 : vector<1024x64xf32>, vector<1024x64xf32> -> vector<1024x128xf32>
    %get3A_15 = arith.constant 0 : index
    %get3A_16 = arith.constant 0 : index
    %get3A_17 = vector.load %arg3[%get3A_15, %get3A_16] : memref<1024x256xf32, #tpu.memory_space<vmem>>, vector<1024x256xf32>
    %get3A_18 = arith.constant 0 : index
    %get3A_19 = arith.constant 0 : index
    %get3A_20 = vector.load %arg7[%get3A_18, %get3A_19] : memref<256x128xf32, #tpu.memory_space<vmem>>, vector<256x128xf32>
    %dot_general3A_21 = arith.constant dense<0.000000e+00> : vector<1024x128xf32>
    %dot_general3A_22 = tpu.matmul %get3A_17, %get3A_20, %dot_general3A_21 {dimension_numbers = #tpu.dot_dimension_numbers<[1], [0], [0], [1], [0, 0, 1, 1], [], []>, transpose_lhs_hint = false} : vector<1024x256xf32>, vector<256x128xf32>, vector<1024x128xf32> -> vector<1024x128xf32>
    %get3A_23 = arith.constant 0 : index
    %get3A_24 = arith.constant 0 : index
    %get3A_25 = vector.load %arg6[%get3A_23, %get3A_24] : memref<128x128xf32, #tpu.memory_space<vmem>>, vector<128x128xf32>
    %dot_general3A_26 = arith.constant dense<0.000000e+00> : vector<1024x128xf32>
    %dot_general3A_27 = tpu.matmul %max3A_11, %get3A_25, %dot_general3A_26 {dimension_numbers = #tpu.dot_dimension_numbers<[1], [0], [0], [1], [0, 0, 1, 1], [], []>, transpose_lhs_hint = false} : vector<1024x128xf32>, vector<128x128xf32>, vector<1024x128xf32> -> vector<1024x128xf32>
    %add3A_28 = arith.addf %dot_general3A_27, %concatenate3A : vector<1024x128xf32>
    %add3A_29 = arith.addf %add3A_28, %dot_general3A_22 : vector<1024x128xf32>
    %get3A_30 = arith.constant 0 : index
    %get3A_31 = arith.constant 0 : index
    %get3A_32 = vector.load %arg8[%get3A_30, %get3A_31] : memref<1x128xf32, #tpu.memory_space<vmem>>, vector<1x128xf32>
    %add3A_33 = vector.broadcast %get3A_32 : vector<1x128xf32> to vector<1024x128xf32>
    %add3A_34 = arith.addf %add3A_29, %add3A_33 : vector<1024x128xf32>
    %max3A_35 = arith.constant 0.000000e+00 : f32
    %max3A_36 = vector.broadcast %max3A_35 : f32 to vector<1024x128xf32>
    %max3A_37 = arith.maximumf %add3A_34, %max3A_36 : vector<1024x128xf32>
    %mul3A = arith.constant 1024 : i32
    %mul3A_38 = arith.muli %arg0, %mul3A : i32
    %iota3A = tpu.iota {dimensions = array<i32: 0>} : vector<1024x1xi32>
    %add3A_39 = vector.broadcast %mul3A_38 : i32 to vector<1024x1xi32>
    %add3A_40 = arith.addi %add3A_39, %iota3A : vector<1024x1xi32>
    %lt3A = arith.constant 50000 : i32
    %lt3A_41 = vector.broadcast %lt3A : i32 to vector<1024x1xi32>
    %lt3A_42 = arith.cmpi slt, %add3A_40, %lt3A_41 : vector<1024x1xi32>
    %jit3A = arith.constant 0.000000e+00 : f32
    %broadcast_in_dim3A = vector.shape_cast %lt3A_42 : vector<1024x1xi1> to vector<1024x1xi1>
    %broadcast_in_dim3A_43 = vector.broadcast %broadcast_in_dim3A : vector<1024x1xi1> to vector<1024x128xi1>
    %broadcast_in_dim3A_44 = vector.broadcast %jit3A : f32 to vector<1024x128xf32>
    %select_n3A = arith.select %broadcast_in_dim3A_43, %max3A_37, %broadcast_in_dim3A_44 : vector<1024x128xi1>, vector<1024x128xf32>
    %swap3A = arith.constant 0 : index
    %swap3A_45 = arith.constant 0 : index
    %swap3A_46 = vector.load %arg9[%swap3A, %swap3A_45] : memref<1024x128xf32, #tpu.memory_space<vmem>>, vector<1024x128xf32>
    tpu.vector_store %arg9[%swap3A, %swap3A_45], %select_n3A {strides = array<i32>} : memref<1024x128xf32, #tpu.memory_space<vmem>>, vector<1024x128xf32>,
    return
  }
  func.func @transform_0(%arg0: i32) -> (i32, i32) {
    %c0_i32 = arith.constant 0 : i32
    %c0_i32_0 = arith.constant 0 : i32
    return %arg0, %c0_i32 : i32, i32
  }
  func.func @transform_1(%arg0: i32) -> (i32, i32) {
    %c0_i32 = arith.constant 0 : i32
    %c0_i32_0 = arith.constant 0 : i32
    return %arg0, %c0_i32 : i32, i32
  }
  func.func @transform_2(%arg0: i32) -> (i32, i32) {
    %c0_i32 = arith.constant 0 : i32
    %c0_i32_0 = arith.constant 0 : i32
    return %arg0, %c0_i32 : i32, i32
  }
  func.func @transform_3(%arg0: i32) -> (i32, i32) {
    %c0_i32 = arith.constant 0 : i32
    %c0_i32_0 = arith.constant 0 : i32
    %c0_i32_1 = arith.constant 0 : i32
    return %c0_i32, %c0_i32_0 : i32, i32
  }
  func.func @transform_4(%arg0: i32) -> (i32, i32) {
    %c0_i32 = arith.constant 0 : i32
    %c0_i32_0 = arith.constant 0 : i32
    %c0_i32_1 = arith.constant 0 : i32
    return %c0_i32, %c0_i32_0 : i32, i32
  }
  func.func @transform_5(%arg0: i32) -> (i32, i32) {
    %c0_i32 = arith.constant 0 : i32
    %c0_i32_0 = arith.constant 0 : i32
    %c0_i32_1 = arith.constant 0 : i32
    return %c0_i32, %c0_i32_0 : i32, i32
  }
  func.func @transform_6(%arg0: i32) -> (i32, i32) {
    %c0_i32 = arith.constant 0 : i32
    %c0_i32_0 = arith.constant 0 : i32
    %c0_i32_1 = arith.constant 0 : i32
    return %c0_i32, %c0_i32_0 : i32, i32
  }
  func.func @transform_7(%arg0: i32) -> (i32, i32) {
    %c0_i32 = arith.constant 0 : i32
    %c0_i32_0 = arith.constant 0 : i32
    %c0_i32_1 = arith.constant 0 : i32
    return %c0_i32, %c0_i32_0 : i32, i32
  }
  func.func @transform_8(%arg0: i32) -> (i32, i32) {
    %c0_i32 = arith.constant 0 : i32
    %c0_i32_0 = arith.constant 0 : i32
    return %arg0, %c0_i32 : i32, i32
  }
}

module attributes {stable_mosaic.version = 14 : i64} {
  func.func @_update_dst_kernel(%arg0: i32, %arg1: memref<2000x128xf32, #tpu.memory_space<vmem>>, %arg2: memref<2000x64xf32, #tpu.memory_space<vmem>>, %arg3: memref<64x128xf32, #tpu.memory_space<vmem>>, %arg4: memref<1x128xf32, #tpu.memory_space<vmem>>, %arg5: memref<2000x128xf32, #tpu.memory_space<vmem>>) attributes {dimension_semantics = [#tpu.dimension_semantics<arbitrary>], iteration_bounds = array<i64: 25>, scalar_prefetch = 0 : i64, scratch_operands = 0 : i64, tpu.core_type = #tpu.core_type<tc>, window_params = [{transform_indices = @transform_0, window_bounds = array<i64: 2000, 128>}, {transform_indices = @transform_1, window_bounds = array<i64: 2000, 64>}, {pipeline_mode = #tpu.pipeline_mode<synchronous>, transform_indices = @transform_2, window_bounds = array<i64: 64, 128>}, {pipeline_mode = #tpu.pipeline_mode<synchronous>, transform_indices = @transform_3, window_bounds = array<i64: 1, 128>}, {transform_indices = @transform_4, window_bounds = array<i64: 2000, 128>}]} {
    %get3A = arith.constant 0 : index
    %get3A_0 = arith.constant 0 : index
    %get3A_1 = vector.load %arg1[%get3A, %get3A_0] : memref<2000x128xf32, #tpu.memory_space<vmem>>, vector<2000x128xf32>
    %get3A_2 = arith.constant 0 : index
    %get3A_3 = arith.constant 0 : index
    %get3A_4 = vector.load %arg2[%get3A_2, %get3A_3] : memref<2000x64xf32, #tpu.memory_space<vmem>>, vector<2000x64xf32>
    %get3A_5 = arith.constant 0 : index
    %get3A_6 = arith.constant 0 : index
    %get3A_7 = vector.load %arg3[%get3A_5, %get3A_6] : memref<64x128xf32, #tpu.memory_space<vmem>>, vector<64x128xf32>
    %dot_general3A = arith.constant dense<0.000000e+00> : vector<2000x128xf32>
    %dot_general3A_8 = tpu.matmul %get3A_4, %get3A_7, %dot_general3A {dimension_numbers = #tpu.dot_dimension_numbers<[1], [0], [0], [1], [0, 0, 1, 1], [], []>, transpose_lhs_hint = false} : vector<2000x64xf32>, vector<64x128xf32>, vector<2000x128xf32> -> vector<2000x128xf32>
    %add3A = arith.addf %get3A_1, %dot_general3A_8 : vector<2000x128xf32>
    %get3A_9 = arith.constant 0 : index
    %get3A_10 = arith.constant 0 : index
    %get3A_11 = vector.load %arg4[%get3A_9, %get3A_10] : memref<1x128xf32, #tpu.memory_space<vmem>>, vector<1x128xf32>
    %add3A_12 = vector.broadcast %get3A_11 : vector<1x128xf32> to vector<2000x128xf32>
    %add3A_13 = arith.addf %add3A, %add3A_12 : vector<2000x128xf32>
    %max3A = arith.constant 0.000000e+00 : f32
    %max3A_14 = vector.broadcast %max3A : f32 to vector<2000x128xf32>
    %max3A_15 = arith.maximumf %add3A_13, %max3A_14 : vector<2000x128xf32>
    %swap3A = arith.constant 0 : index
    %swap3A_16 = arith.constant 0 : index
    %swap3A_17 = vector.load %arg5[%swap3A, %swap3A_16] : memref<2000x128xf32, #tpu.memory_space<vmem>>, vector<2000x128xf32>
    tpu.vector_store %arg5[%swap3A, %swap3A_16], %max3A_15 {strides = array<i32>} : memref<2000x128xf32, #tpu.memory_space<vmem>>, vector<2000x128xf32>,
    return
  }
  func.func @transform_0(%arg0: i32) -> (i32, i32) {
    %add3A = arith.constant 25 : i32
    %add3A_0 = arith.addi %arg0, %add3A : i32
    %c0_i32 = arith.constant 0 : i32
    %c0_i32_1 = arith.constant 0 : i32
    return %add3A_0, %c0_i32 : i32, i32
  }
  func.func @transform_1(%arg0: i32) -> (i32, i32) {
    %c0_i32 = arith.constant 0 : i32
    %c0_i32_0 = arith.constant 0 : i32
    return %arg0, %c0_i32 : i32, i32
  }
  func.func @transform_2(%arg0: i32) -> (i32, i32) {
    %c0_i32 = arith.constant 0 : i32
    %c0_i32_0 = arith.constant 0 : i32
    %c0_i32_1 = arith.constant 0 : i32
    return %c0_i32, %c0_i32_0 : i32, i32
  }
  func.func @transform_3(%arg0: i32) -> (i32, i32) {
    %c0_i32 = arith.constant 0 : i32
    %c0_i32_0 = arith.constant 0 : i32
    %c0_i32_1 = arith.constant 0 : i32
    return %c0_i32, %c0_i32_0 : i32, i32
  }
  func.func @transform_4(%arg0: i32) -> (i32, i32) {
    %c0_i32 = arith.constant 0 : i32
    %c0_i32_0 = arith.constant 0 : i32
    return %arg0, %c0_i32 : i32, i32
  }
}

module attributes {stable_mosaic.version = 14 : i64} {
  func.func @_update_src_kernel(%arg0: i32, %arg1: memref<2000x128xf32, #tpu.memory_space<vmem>>, %arg2: memref<2000x128xf32, #tpu.memory_space<vmem>>, %arg3: memref<64x128xf32, #tpu.memory_space<vmem>>, %arg4: memref<1x128xf32, #tpu.memory_space<vmem>>, %arg5: memref<128x64xf32, #tpu.memory_space<vmem>>, %arg6: memref<2000x64xf32, #tpu.memory_space<vmem>>) attributes {dimension_semantics = [#tpu.dimension_semantics<arbitrary>], iteration_bounds = array<i64: 25>, scalar_prefetch = 0 : i64, scratch_operands = 0 : i64, tpu.core_type = #tpu.core_type<tc>, window_params = [{transform_indices = @transform_0, window_bounds = array<i64: 2000, 128>}, {transform_indices = @transform_1, window_bounds = array<i64: 2000, 128>}, {pipeline_mode = #tpu.pipeline_mode<synchronous>, transform_indices = @transform_2, window_bounds = array<i64: 64, 128>}, {pipeline_mode = #tpu.pipeline_mode<synchronous>, transform_indices = @transform_3, window_bounds = array<i64: 1, 128>}, {pipeline_mode = #tpu.pipeline_mode<synchronous>, transform_indices = @transform_4, window_bounds = array<i64: 128, 64>}, {transform_indices = @transform_5, window_bounds = array<i64: 2000, 64>}]} {
    %get3A = arith.constant 0 : index
    %get3A_0 = arith.constant 0 : index
    %get3A_1 = vector.load %arg2[%get3A, %get3A_0] : memref<2000x128xf32, #tpu.memory_space<vmem>>, vector<2000x128xf32>
    %slice3A = vector.extract_strided_slice %get3A_1 {offsets = [0, 0], sizes = [2000, 64], strides = [1, 1]} : vector<2000x128xf32> to vector<2000x64xf32>
    %slice3A_2 = vector.extract_strided_slice %get3A_1 {offsets = [0, 64], sizes = [2000, 64], strides = [1, 1]} : vector<2000x128xf32> to vector<2000x64xf32>
    %add3A = arith.addf %slice3A, %slice3A_2 : vector<2000x64xf32>
    %get3A_3 = arith.constant 0 : index
    %get3A_4 = arith.constant 0 : index
    %get3A_5 = vector.load %arg1[%get3A_3, %get3A_4] : memref<2000x128xf32, #tpu.memory_space<vmem>>, vector<2000x128xf32>
    %get3A_6 = arith.constant 0 : index
    %get3A_7 = arith.constant 0 : index
    %get3A_8 = vector.load %arg3[%get3A_6, %get3A_7] : memref<64x128xf32, #tpu.memory_space<vmem>>, vector<64x128xf32>
    %dot_general3A = arith.constant dense<0.000000e+00> : vector<2000x128xf32>
    %dot_general3A_9 = tpu.matmul %add3A, %get3A_8, %dot_general3A {dimension_numbers = #tpu.dot_dimension_numbers<[1], [0], [0], [1], [0, 0, 1, 1], [], []>, transpose_lhs_hint = false} : vector<2000x64xf32>, vector<64x128xf32>, vector<2000x128xf32> -> vector<2000x128xf32>
    %add3A_10 = arith.addf %get3A_5, %dot_general3A_9 : vector<2000x128xf32>
    %get3A_11 = arith.constant 0 : index
    %get3A_12 = arith.constant 0 : index
    %get3A_13 = vector.load %arg4[%get3A_11, %get3A_12] : memref<1x128xf32, #tpu.memory_space<vmem>>, vector<1x128xf32>
    %add3A_14 = vector.broadcast %get3A_13 : vector<1x128xf32> to vector<2000x128xf32>
    %add3A_15 = arith.addf %add3A_10, %add3A_14 : vector<2000x128xf32>
    %max3A = arith.constant 0.000000e+00 : f32
    %max3A_16 = vector.broadcast %max3A : f32 to vector<2000x128xf32>
    %max3A_17 = arith.maximumf %add3A_15, %max3A_16 : vector<2000x128xf32>
    %get3A_18 = arith.constant 0 : index
    %get3A_19 = arith.constant 0 : index
    %get3A_20 = vector.load %arg5[%get3A_18, %get3A_19] : memref<128x64xf32, #tpu.memory_space<vmem>>, vector<128x64xf32>
    %dot_general3A_21 = arith.constant dense<0.000000e+00> : vector<2000x64xf32>
    %dot_general3A_22 = tpu.matmul %max3A_17, %get3A_20, %dot_general3A_21 {dimension_numbers = #tpu.dot_dimension_numbers<[1], [0], [0], [1], [0, 0, 1, 1], [], []>, transpose_lhs_hint = false} : vector<2000x128xf32>, vector<128x64xf32>, vector<2000x64xf32> -> vector<2000x64xf32>
    %swap3A = arith.constant 0 : index
    %swap3A_23 = arith.constant 0 : index
    %swap3A_24 = vector.load %arg6[%swap3A, %swap3A_23] : memref<2000x64xf32, #tpu.memory_space<vmem>>, vector<2000x64xf32>
    tpu.vector_store %arg6[%swap3A, %swap3A_23], %dot_general3A_22 {strides = array<i32>} : memref<2000x64xf32, #tpu.memory_space<vmem>>, vector<2000x64xf32>,
    return
  }
  func.func @transform_0(%arg0: i32) -> (i32, i32) {
    %c0_i32 = arith.constant 0 : i32
    %c0_i32_0 = arith.constant 0 : i32
    return %arg0, %c0_i32 : i32, i32
  }
  func.func @transform_1(%arg0: i32) -> (i32, i32) {
    %c0_i32 = arith.constant 0 : i32
    %c0_i32_0 = arith.constant 0 : i32
    return %arg0, %c0_i32 : i32, i32
  }
  func.func @transform_2(%arg0: i32) -> (i32, i32) {
    %c0_i32 = arith.constant 0 : i32
    %c0_i32_0 = arith.constant 0 : i32
    %c0_i32_1 = arith.constant 0 : i32
    return %c0_i32, %c0_i32_0 : i32, i32
  }
  func.func @transform_3(%arg0: i32) -> (i32, i32) {
    %c0_i32 = arith.constant 0 : i32
    %c0_i32_0 = arith.constant 0 : i32
    %c0_i32_1 = arith.constant 0 : i32
    return %c0_i32, %c0_i32_0 : i32, i32
  }
  func.func @transform_4(%arg0: i32) -> (i32, i32) {
    %c0_i32 = arith.constant 0 : i32
    %c0_i32_0 = arith.constant 0 : i32
    %c0_i32_1 = arith.constant 0 : i32
    return %c0_i32, %c0_i32_0 : i32, i32
  }
  func.func @transform_5(%arg0: i32) -> (i32, i32) {
    %c0_i32 = arith.constant 0 : i32
    %c0_i32_0 = arith.constant 0 : i32
    return %arg0, %c0_i32 : i32, i32
  }
}

module attributes {stable_mosaic.version = 14 : i64} {
  func.func @_final_kernel(%arg0: i32, %arg1: memref<2000x128xf32, #tpu.memory_space<vmem>>, %arg2: memref<2000x64xf32, #tpu.memory_space<vmem>>, %arg3: memref<2000x256xf32, #tpu.memory_space<vmem>>, %arg4: memref<128x128xf32, #tpu.memory_space<vmem>>, %arg5: memref<256x128xf32, #tpu.memory_space<vmem>>, %arg6: memref<1x128xf32, #tpu.memory_space<vmem>>, %arg7: memref<128x128xf32, #tpu.memory_space<vmem>>, %arg8: memref<1x128xf32, #tpu.memory_space<vmem>>, %arg9: memref<128x64xf32, #tpu.memory_space<vmem>>, %arg10: memref<1x64xf32, #tpu.memory_space<vmem>>, %arg11: memref<64x32xf32, #tpu.memory_space<vmem>>, %arg12: memref<1x32xf32, #tpu.memory_space<vmem>>, %arg13: memref<32x3xf32, #tpu.memory_space<vmem>>, %arg14: memref<1x3xf32, #tpu.memory_space<vmem>>, %arg15: memref<2000x3xf32, #tpu.memory_space<vmem>>) attributes {dimension_semantics = [#tpu.dimension_semantics<arbitrary>], iteration_bounds = array<i64: 25>, scalar_prefetch = 0 : i64, scratch_operands = 0 : i64, tpu.core_type = #tpu.core_type<tc>, window_params = [{transform_indices = @transform_0, window_bounds = array<i64: 2000, 128>}, {transform_indices = @transform_1, window_bounds = array<i64: 2000, 64>}, {transform_indices = @transform_2, window_bounds = array<i64: 2000, 256>}, {pipeline_mode = #tpu.pipeline_mode<synchronous>, transform_indices = @transform_3, window_bounds = array<i64: 128, 128>}, {pipeline_mode = #tpu.pipeline_mode<synchronous>, transform_indices = @transform_4, window_bounds = array<i64: 256, 128>}, {pipeline_mode = #tpu.pipeline_mode<synchronous>, transform_indices = @transform_5, window_bounds = array<i64: 1, 128>}, {pipeline_mode = #tpu.pipeline_mode<synchronous>, transform_indices = @transform_6, window_bounds = array<i64: 128, 128>}, {pipeline_mode = #tpu.pipeline_mode<synchronous>, transform_indices = @transform_7, window_bounds = array<i64: 1, 128>}, {pipeline_mode = #tpu.pipeline_mode<synchronous>, transform_indices = @transform_8, window_bounds = array<i64: 128, 64>}, {pipeline_mode = #tpu.pipeline_mode<synchronous>, transform_indices = @transform_9, window_bounds = array<i64: 1, 64>}, {pipeline_mode = #tpu.pipeline_mode<synchronous>, transform_indices = @transform_10, window_bounds = array<i64: 64, 32>}, {pipeline_mode = #tpu.pipeline_mode<synchronous>, transform_indices = @transform_11, window_bounds = array<i64: 1, 32>}, {pipeline_mode = #tpu.pipeline_mode<synchronous>, transform_indices = @transform_12, window_bounds = array<i64: 32, 3>}, {pipeline_mode = #tpu.pipeline_mode<synchronous>, transform_indices = @transform_13, window_bounds = array<i64: 1, 3>}, {transform_indices = @transform_14, window_bounds = array<i64: 2000, 3>}]} {
    %get3A = arith.constant 0 : index
    %get3A_0 = arith.constant 0 : index
    %get3A_1 = vector.load %arg2[%get3A, %get3A_0] : memref<2000x64xf32, #tpu.memory_space<vmem>>, vector<2000x64xf32>
    %concatenate3A = tpu.concatenate %get3A_1, %get3A_1 in 1 : vector<2000x64xf32>, vector<2000x64xf32> -> vector<2000x128xf32>
    %get3A_2 = arith.constant 0 : index
    %get3A_3 = arith.constant 0 : index
    %get3A_4 = vector.load %arg3[%get3A_2, %get3A_3] : memref<2000x256xf32, #tpu.memory_space<vmem>>, vector<2000x256xf32>
    %get3A_5 = arith.constant 0 : index
    %get3A_6 = arith.constant 0 : index
    %get3A_7 = vector.load %arg5[%get3A_5, %get3A_6] : memref<256x128xf32, #tpu.memory_space<vmem>>, vector<256x128xf32>
    %dot_general3A = arith.constant dense<0.000000e+00> : vector<2000x128xf32>
    %dot_general3A_8 = tpu.matmul %get3A_4, %get3A_7, %dot_general3A {dimension_numbers = #tpu.dot_dimension_numbers<[1], [0], [0], [1], [0, 0, 1, 1], [], []>, transpose_lhs_hint = false} : vector<2000x256xf32>, vector<256x128xf32>, vector<2000x128xf32> -> vector<2000x128xf32>
    %get3A_9 = arith.constant 0 : index
    %get3A_10 = arith.constant 0 : index
    %get3A_11 = vector.load %arg1[%get3A_9, %get3A_10] : memref<2000x128xf32, #tpu.memory_space<vmem>>, vector<2000x128xf32>
    %get3A_12 = arith.constant 0 : index
    %get3A_13 = arith.constant 0 : index
    %get3A_14 = vector.load %arg4[%get3A_12, %get3A_13] : memref<128x128xf32, #tpu.memory_space<vmem>>, vector<128x128xf32>
    %dot_general3A_15 = arith.constant dense<0.000000e+00> : vector<2000x128xf32>
    %dot_general3A_16 = tpu.matmul %get3A_11, %get3A_14, %dot_general3A_15 {dimension_numbers = #tpu.dot_dimension_numbers<[1], [0], [0], [1], [0, 0, 1, 1], [], []>, transpose_lhs_hint = false} : vector<2000x128xf32>, vector<128x128xf32>, vector<2000x128xf32> -> vector<2000x128xf32>
    %add3A = arith.addf %dot_general3A_16, %concatenate3A : vector<2000x128xf32>
    %add3A_17 = arith.addf %add3A, %dot_general3A_8 : vector<2000x128xf32>
    %get3A_18 = arith.constant 0 : index
    %get3A_19 = arith.constant 0 : index
    %get3A_20 = vector.load %arg6[%get3A_18, %get3A_19] : memref<1x128xf32, #tpu.memory_space<vmem>>, vector<1x128xf32>
    %add3A_21 = vector.broadcast %get3A_20 : vector<1x128xf32> to vector<2000x128xf32>
    %add3A_22 = arith.addf %add3A_17, %add3A_21 : vector<2000x128xf32>
    %max3A = arith.constant 0.000000e+00 : f32
    %max3A_23 = vector.broadcast %max3A : f32 to vector<2000x128xf32>
    %max3A_24 = arith.maximumf %add3A_22, %max3A_23 : vector<2000x128xf32>
    %get3A_25 = arith.constant 0 : index
    %get3A_26 = arith.constant 0 : index
    %get3A_27 = vector.load %arg7[%get3A_25, %get3A_26] : memref<128x128xf32, #tpu.memory_space<vmem>>, vector<128x128xf32>
    %dot_general3A_28 = arith.constant dense<0.000000e+00> : vector<2000x128xf32>
    %dot_general3A_29 = tpu.matmul %max3A_24, %get3A_27, %dot_general3A_28 {dimension_numbers = #tpu.dot_dimension_numbers<[1], [0], [0], [1], [0, 0, 1, 1], [], []>, transpose_lhs_hint = false} : vector<2000x128xf32>, vector<128x128xf32>, vector<2000x128xf32> -> vector<2000x128xf32>
    %get3A_30 = arith.constant 0 : index
    %get3A_31 = arith.constant 0 : index
    %get3A_32 = vector.load %arg8[%get3A_30, %get3A_31] : memref<1x128xf32, #tpu.memory_space<vmem>>, vector<1x128xf32>
    %add3A_33 = vector.broadcast %get3A_32 : vector<1x128xf32> to vector<2000x128xf32>
    %add3A_34 = arith.addf %dot_general3A_29, %add3A_33 : vector<2000x128xf32>
    %max3A_35 = arith.constant 0.000000e+00 : f32
    %max3A_36 = vector.broadcast %max3A_35 : f32 to vector<2000x128xf32>
    %max3A_37 = arith.maximumf %add3A_34, %max3A_36 : vector<2000x128xf32>
    %get3A_38 = arith.constant 0 : index
    %get3A_39 = arith.constant 0 : index
    %get3A_40 = vector.load %arg9[%get3A_38, %get3A_39] : memref<128x64xf32, #tpu.memory_space<vmem>>, vector<128x64xf32>
    %dot_general3A_41 = arith.constant dense<0.000000e+00> : vector<2000x64xf32>
    %dot_general3A_42 = tpu.matmul %max3A_37, %get3A_40, %dot_general3A_41 {dimension_numbers = #tpu.dot_dimension_numbers<[1], [0], [0], [1], [0, 0, 1, 1], [], []>, transpose_lhs_hint = false} : vector<2000x128xf32>, vector<128x64xf32>, vector<2000x64xf32> -> vector<2000x64xf32>
    %get3A_43 = arith.constant 0 : index
    %get3A_44 = arith.constant 0 : index
    %get3A_45 = vector.load %arg10[%get3A_43, %get3A_44] : memref<1x64xf32, #tpu.memory_space<vmem>>, vector<1x64xf32>
    %add3A_46 = vector.broadcast %get3A_45 : vector<1x64xf32> to vector<2000x64xf32>
    %add3A_47 = arith.addf %dot_general3A_42, %add3A_46 : vector<2000x64xf32>
    %max3A_48 = arith.constant 0.000000e+00 : f32
    %max3A_49 = vector.broadcast %max3A_48 : f32 to vector<2000x64xf32>
    %max3A_50 = arith.maximumf %add3A_47, %max3A_49 : vector<2000x64xf32>
    %get3A_51 = arith.constant 0 : index
    %get3A_52 = arith.constant 0 : index
    %get3A_53 = vector.load %arg11[%get3A_51, %get3A_52] : memref<64x32xf32, #tpu.memory_space<vmem>>, vector<64x32xf32>
    %dot_general3A_54 = arith.constant dense<0.000000e+00> : vector<2000x32xf32>
    %dot_general3A_55 = tpu.matmul %max3A_50, %get3A_53, %dot_general3A_54 {dimension_numbers = #tpu.dot_dimension_numbers<[1], [0], [0], [1], [0, 0, 1, 1], [], []>, transpose_lhs_hint = false} : vector<2000x64xf32>, vector<64x32xf32>, vector<2000x32xf32> -> vector<2000x32xf32>
    %get3A_56 = arith.constant 0 : index
    %get3A_57 = arith.constant 0 : index
    %get3A_58 = vector.load %arg12[%get3A_56, %get3A_57] : memref<1x32xf32, #tpu.memory_space<vmem>>, vector<1x32xf32>
    %add3A_59 = vector.broadcast %get3A_58 : vector<1x32xf32> to vector<2000x32xf32>
    %add3A_60 = arith.addf %dot_general3A_55, %add3A_59 : vector<2000x32xf32>
    %max3A_61 = arith.constant 0.000000e+00 : f32
    %max3A_62 = vector.broadcast %max3A_61 : f32 to vector<2000x32xf32>
    %max3A_63 = arith.maximumf %add3A_60, %max3A_62 : vector<2000x32xf32>
    %get3A_64 = arith.constant 0 : index
    %get3A_65 = arith.constant 0 : index
    %get3A_66 = vector.load %arg13[%get3A_64, %get3A_65] : memref<32x3xf32, #tpu.memory_space<vmem>>, vector<32x3xf32>
    %dot_general3A_67 = arith.constant dense<0.000000e+00> : vector<2000x3xf32>
    %dot_general3A_68 = tpu.matmul %max3A_63, %get3A_66, %dot_general3A_67 {dimension_numbers = #tpu.dot_dimension_numbers<[1], [0], [0], [1], [0, 0, 1, 1], [], []>, transpose_lhs_hint = false} : vector<2000x32xf32>, vector<32x3xf32>, vector<2000x3xf32> -> vector<2000x3xf32>
    %get3A_69 = arith.constant 0 : index
    %get3A_70 = arith.constant 0 : index
    %get3A_71 = vector.load %arg14[%get3A_69, %get3A_70] : memref<1x3xf32, #tpu.memory_space<vmem>>, vector<1x3xf32>
    %add3A_72 = vector.broadcast %get3A_71 : vector<1x3xf32> to vector<2000x3xf32>
    %add3A_73 = arith.addf %dot_general3A_68, %add3A_72 : vector<2000x3xf32>
    %swap3A = arith.constant 0 : index
    %swap3A_74 = arith.constant 0 : index
    %swap3A_75 = vector.load %arg15[%swap3A, %swap3A_74] : memref<2000x3xf32, #tpu.memory_space<vmem>>, vector<2000x3xf32>
    tpu.vector_store %arg15[%swap3A, %swap3A_74], %add3A_73 {strides = array<i32>} : memref<2000x3xf32, #tpu.memory_space<vmem>>, vector<2000x3xf32>,
    return
  }
  func.func @transform_0(%arg0: i32) -> (i32, i32) {
    %c0_i32 = arith.constant 0 : i32
    %c0_i32_0 = arith.constant 0 : i32
    return %arg0, %c0_i32 : i32, i32
  }
  func.func @transform_1(%arg0: i32) -> (i32, i32) {
    %c0_i32 = arith.constant 0 : i32
    %c0_i32_0 = arith.constant 0 : i32
    return %arg0, %c0_i32 : i32, i32
  }
  func.func @transform_2(%arg0: i32) -> (i32, i32) {
    %c0_i32 = arith.constant 0 : i32
    %c0_i32_0 = arith.constant 0 : i32
    return %arg0, %c0_i32 : i32, i32
  }
  func.func @transform_3(%arg0: i32) -> (i32, i32) {
    %c0_i32 = arith.constant 0 : i32
    %c0_i32_0 = arith.constant 0 : i32
    %c0_i32_1 = arith.constant 0 : i32
    return %c0_i32, %c0_i32_0 : i32, i32
  }
  func.func @transform_4(%arg0: i32) -> (i32, i32) {
    %c0_i32 = arith.constant 0 : i32
    %c0_i32_0 = arith.constant 0 : i32
    %c0_i32_1 = arith.constant 0 : i32
    return %c0_i32, %c0_i32_0 : i32, i32
  }
  func.func @transform_5(%arg0: i32) -> (i32, i32) {
    %c0_i32 = arith.constant 0 : i32
    %c0_i32_0 = arith.constant 0 : i32
    %c0_i32_1 = arith.constant 0 : i32
    return %c0_i32, %c0_i32_0 : i32, i32
  }
  func.func @transform_6(%arg0: i32) -> (i32, i32) {
    %c0_i32 = arith.constant 0 : i32
    %c0_i32_0 = arith.constant 0 : i32
    %c0_i32_1 = arith.constant 0 : i32
    return %c0_i32, %c0_i32_0 : i32, i32
  }
  func.func @transform_7(%arg0: i32) -> (i32, i32) {
    %c0_i32 = arith.constant 0 : i32
    %c0_i32_0 = arith.constant 0 : i32
    %c0_i32_1 = arith.constant 0 : i32
    return %c0_i32, %c0_i32_0 : i32, i32
  }
  func.func @transform_8(%arg0: i32) -> (i32, i32) {
    %c0_i32 = arith.constant 0 : i32
    %c0_i32_0 = arith.constant 0 : i32
    %c0_i32_1 = arith.constant 0 : i32
    return %c0_i32, %c0_i32_0 : i32, i32
  }
  func.func @transform_9(%arg0: i32) -> (i32, i32) {
    %c0_i32 = arith.constant 0 : i32
    %c0_i32_0 = arith.constant 0 : i32
    %c0_i32_1 = arith.constant 0 : i32
    return %c0_i32, %c0_i32_0 : i32, i32
  }
  func.func @transform_10(%arg0: i32) -> (i32, i32) {
    %c0_i32 = arith.constant 0 : i32
    %c0_i32_0 = arith.constant 0 : i32
    %c0_i32_1 = arith.constant 0 : i32
    return %c0_i32, %c0_i32_0 : i32, i32
  }
  func.func @transform_11(%arg0: i32) -> (i32, i32) {
    %c0_i32 = arith.constant 0 : i32
    %c0_i32_0 = arith.constant 0 : i32
    %c0_i32_1 = arith.constant 0 : i32
    return %c0_i32, %c0_i32_0 : i32, i32
  }
  func.func @transform_12(%arg0: i32) -> (i32, i32) {
    %c0_i32 = arith.constant 0 : i32
    %c0_i32_0 = arith.constant 0 : i32
    %c0_i32_1 = arith.constant 0 : i32
    return %c0_i32, %c0_i32_0 : i32, i32
  }
  func.func @transform_13(%arg0: i32) -> (i32, i32) {
    %c0_i32 = arith.constant 0 : i32
    %c0_i32_0 = arith.constant 0 : i32
    %c0_i32_1 = arith.constant 0 : i32
    return %c0_i32, %c0_i32_0 : i32, i32
  }
  func.func @transform_14(%arg0: i32) -> (i32, i32) {
    %c0_i32 = arith.constant 0 : i32
    %c0_i32_0 = arith.constant 0 : i32
    return %arg0, %c0_i32 : i32, i32
  }
}

</mosaic_0001>

<sc_bundles>
// kernel: kernel.10.cloned.1.call-start
scs
__scs_entry_jumppad:
0x0: {  	(pc) =	sbr.rel $0x88, $3  }
0x1: {  	(tag) =	ssettag $0x0;
	lr =	simm.s32 $0x1  }
0x2: {  	[smem:$0x3F86] =	sst lr;
	_ =	strace $0xD0000000  }
0x3: {  	_ = 	snop  }
0x4: {  	_ = 	snop  }
0x5: {  	_ = 	snop  }
0x6: {  	_ = 	snop  }
0x7: {  	_ = 	snop  }
__scs_overlays_trampoline_lowered:
0x8: {  	[smem:$0x3F95] =	sst s0  }
0x9: {  	[smem:$0x3F96] =	sst s1  }
0xa: {  	[smem:$0x3F97] =	sst s2  }
0xb: {  	[smem:$0x3F98] =	sst s3  }
0xc: {  	[smem:$0x3F99] =	sst s4  }
0xd: {  	[smem:$0x3F9A] =	sst s5  }
0xe: {  	[smem:$0x3F9B] =	sst s6  }
0xf: {  	[smem:$0x3F9C] =	sst s7  }
0x10: {  	[smem:$0x3F9D] =	sst s8  }
0x11: {  	[smem:$0x3F9E] =	sst s9;
	s0 =	simm.s32 @!p0 $0x0  }
0x12: {  	s1 =	sld [smem:$0x3F84];
	s0 =	simm.s32 @p0 $0x1  }
0x13: {  	[smem:$0x3F9F] =	sst s0;
	s0 =	simm.s32 @!p1 $0x0  }
0x14: {  	s2 =	sld [smem:$0x3F83];
	s0 =	simm.s32 @p1 $0x1  }
0x15: {  	[smem:$0x3FA0] =	sst s0;
	s0 =	simm.s32 @!p2 $0x0  }
0x16: {  	s3 =	sld [smem:$0x3FDB];
	s0 =	simm.s32 @p2 $0x1  }
0x17: {  	s4 =	simm.s32 $0x1BF5;
	[smem:$0x3FA2] =	sst s0  }
0x18: {  	s0 =	sld [smem:$0x3F85];
	_ =	swait.ge [sflag:s4], $0x0  }
0x19: {  	s7 =	sld [smem:$0x3F86]  }
0x1a: {  	s8 =	sadd.s32 $0xFFFFE003, lr  }
0x1b: {  	s9 =	sadd.s32 $0xFFFFFEF7, lr;
	s5 =	simm.s32 $0xFFFFFFFF;
	p2 =	slt.u32 s8, $0xFFFFF086  }
0x1c: {  	p1 =	slt.u32 s9, $0xF7A;
	s5 =	simm.s32 @!p2 $0x0  }
0x1d: {  	s5 =	simm.s32 @p1 $0x1;
	p0 =	seq.s32 s7, s2  }
0x1e: {  	s7 =	smul.u32 @!p0 $0xF7A, s2;
	p2 =	seq.s32 @!p0 s5, $0x0  }
0x1f: {  	s9 =	smul.u32 $0xF7A, s1;
	s8 =	simm.s32 @!p0 $0x1BF5;
	p2 =	por !p2, p0  }
0x20: {  	[sflag:s8] =	ssyncset.s32 @!p0 $0xFFFFF086;
	s6 =	sadd.s32 @!p0 s3, s7;
	s7 =	simm.s32 @!p0 $0x108  }
0x21: {  	s3 =	sadd.s32 s3, s9;
	s6 =	sadd.s32 @!p0 $0x88, s6;
	s7 =	simm.s32 @p2 $0x1082  }
0x22: {  	[simem:s7], [sflag:s8] =	dma.local @!p0 [hbm:s6], $0xF7A  }
0x23: {  	s9 =	sor.u32 $0xD0000000, s2;
	s6 =	simm.s32 $0x108;
	_ =	swait.ge @!p0 [sflag:s8], $0x0  }
0x24: {  	s3 =	sadd.s32 $0x88, s3;
	s6 =	simm.s32 @!p1 $0x1082;
	[sflag:s4] =	ssyncset.s32 $0xFFFFF086  }
0x25: {  	[simem:s6], [sflag:s4] =	dma.local [hbm:s3], $0xF7A  }
0x26: {  	[smem:$0x3F86] =	sst s1;
	(tag) =	ssettag s2;
	_ =	strace s9  }
0x27: {  	s1 =	sld [smem:$0x3F96]  }
0x28: {  	s2 =	sld [smem:$0x3F97]  }
0x29: {  	s4 =	sld [smem:$0x3F99]  }
0x2a: {  	p0 =	seq.s32 s5, $0x0;
	s5 =	sld [smem:$0x3F9A]  }
0x2b: {  	s6 =	sld [smem:$0x3F9B]  }
0x2c: {  	s7 =	sld [smem:$0x3F9C]  }
0x2d: {  	s3 =	simm.s32 $0x108;
	s8 =	sld [smem:$0x3F9D]  }
0x2e: {  	s3 =	simm.s32 @!p0 $0x1082;
	s9 =	sld [smem:$0x3F9E]  }
0x2f: {  	lr =	sadd.s32 s0, s3;
	s0 =	sld [smem:$0x3F95]  }
0x30: {  	s3 =	sld [smem:$0x3F98]  }
0x31: {  	[smem:$0x3FA1] =	sst s10  }
0x32: {  	s10 =	sld [smem:$0x3F9F];
	_ =	sdelay $0x3  }
0x33: {  	p0 =	seq.s32 s10, $0x1;
	s10 =	sld [smem:$0x3FA1];
	_ =	sdelay $0x3  }
0x34: {  	[smem:$0x3FA1] =	sst s10  }
0x35: {  	s10 =	sld [smem:$0x3FA0];
	_ =	sdelay $0x3  }
0x36: {  	p1 =	seq.s32 s10, $0x1;
	s10 =	sld [smem:$0x3FA1];
	_ =	sdelay $0x3  }
0x37: {  	[smem:$0x3FA1] =	sst s10  }
0x38: {  	s10 =	sld [smem:$0x3FA2]  }
0x39: {  	_ = 	snop;
	(pc) =	sbr.ind lr, $3  }
0x3a: {  	_ = 	snop  }
0x3b: {  	_ = 	snop  }
0x3c: {  	p2 =	seq.s32 s10, $0x1;
	s10 =	sld [smem:$0x3FA1]  }
0x3d: {  	_ =	shalt  }
0x3e: {  	_ =	shalt  }
0x3f: {  	_ =	shalt  }
0x40: {  	_ =	shalt  }
0x41: {  	_ =	shalt  }
0x42: {  	_ =	shalt  }
0x43: {  	_ =	shalt  }
0x44: {  	_ =	shalt  }
0x45: {  	_ =	shalt  }
0x46: {  	_ =	shalt  }
0x47: {  	_ =	shalt  }
0x48: {  	_ =	shalt  }
0x49: {  	_ =	shalt  }
0x4a: {  	_ =	shalt  }
0x4b: {  	_ =	shalt  }
0x4c: {  	_ =	shalt  }
0x4d: {  	_ =	shalt  }
0x4e: {  	_ =	shalt  }
0x4f: {  	_ =	shalt  }
0x50: {  	_ =	shalt  }
0x51: {  	_ =	shalt  }
0x52: {  	_ =	shalt  }
0x53: {  	_ =	shalt  }
0x54: {  	_ =	shalt  }
0x55: {  	_ =	shalt  }
0x56: {  	_ =	shalt  }
0x57: {  	_ =	shalt  }
0x58: {  	_ =	shalt  }
0x59: {  	_ =	shalt  }
0x5a: {  	_ =	shalt  }
0x5b: {  	_ =	shalt  }
0x5c: {  	_ =	shalt  }
0x5d: {  	_ =	shalt  }
0x5e: {  	_ =	shalt  }
0x5f: {  	_ =	shalt  }
0x60: {  	_ =	shalt  }
0x61: {  	_ =	shalt  }
0x62: {  	_ =	shalt  }
0x63: {  	_ =	shalt  }
0x64: {  	_ =	shalt  }
0x65: {  	_ =	shalt  }
0x66: {  	_ =	shalt  }
0x67: {  	_ =	shalt  }
0x68: {  	_ =	shalt  }
0x69: {  	_ =	shalt  }
0x6a: {  	_ =	shalt  }
0x6b: {  	_ =	shalt  }
0x6c: {  	_ =	shalt  }
0x6d: {  	_ =	shalt  }
0x6e: {  	_ =	shalt  }
0x6f: {  	_ =	shalt  }
0x70: {  	_ =	shalt  }
0x71: {  	_ =	shalt  }
0x72: {  	_ =	shalt  }
0x73: {  	_ =	shalt  }
0x74: {  	_ =	shalt  }
0x75: {  	_ =	shalt  }
0x76: {  	_ =	shalt  }
0x77: {  	_ =	shalt  }
0x78: {  	_ =	shalt  }
0x79: {  	_ =	shalt  }
0x7a: {  	_ =	shalt  }
0x7b: {  	_ =	shalt  }
0x7c: {  	_ =	shalt  }
0x7d: {  	_ =	shalt  }
0x7e: {  	_ =	shalt  }
0x7f: {  	_ =	shalt  }
0x80: {  	_ =	shalt  }
0x81: {  	_ =	shalt  }
0x82: {  	_ =	shalt  }
0x83: {  	_ =	shalt  }
0x84: {  	_ =	shalt  }
0x85: {  	_ =	shalt  }
0x86: {  	_ =	shalt  }
0x87: {  	_ =	shalt  }
.Lfunc_end0:
.L_simem_size_0:
called_computation_lowered:
.L_overlay_start_0:
0x88: {  	s2 =	sld [smem:$0x3FD9]  }
0x89: {  	s3 =	sld [smem:$0x3FFE];
	_ =	sdelay $0x1  }
0x8a: {  	s1 =	srdreg.scid  }
0x8b: {  	s0 =	sand.u32 $0x1, s1  }
0x8c: {  	s17 =	sshll.u32 s0, $0xA;
	s2 =	sadd.s32 s3, s2  }
0x8d: {  	s2 =	sadd.s32 s2, s17  }
0x8e: {  	[smem:$0x3FAD] =	sst s2  }
0x8f: {  	_ = 	snop  }
0x90: {  	s2 =	sld [smem:$0x3FD0];
	(tm) =	ssettm $0x1  }
0x91: {  	s18 =	sld [smem:$0x3FFB];
	_ =	sdelay $0x3  }
0x92: {  	_ =	strace s18  }
0x93: {  	s3 =	sld [smem:$0x3FFC];
	_ =	sdelay $0x3  }
0x94: {  	_ =	strace s3  }
0x95: {  	s3 =	sld [smem:$0x3FFD];
	_ =	sdelay $0x3  }
0x96: {  	_ =	strace s3  }
0x97: {  	_ =	strace $0x8FFFFFFF  }
0x98: {  	s19 =	sld [smem:$0x3FDB];
	_ =	sdelay $0x1  }
0x99: {  	s4 =	simm.s32 $_scs_section_size  }
0x9a: {  	s5 =	simm.s32 $_size__tile_overlayer_lowered;
	s6 =	simm.s32 $_tile_overlayer_lowered  }
0x9b: {  	s22 =	simm.s32 $0x1BFF;
	s21 =	sshll.u32 s6, $0x1;
	s3 =	sadd.s32 s4, s19  }
0x9c: {  	s7 =	simm.s32 $0x0;
	s20 =	sshll.u32 s5, $0x1;
	s5 =	sadd.s32 s21, s3  }
0x9d: {  	[timem:s7], [sflag:s22] =	dma.local [hbm:s5], s20  }
0x9e: {  	_ =	swait.ge [sflag:s22], s20  }
0x9f: {  	s4 =	ssub.s32 $0x0, s20;
	[sflag:s22] =	ssyncset.done $0x0  }
0xa0: {  	[sflag:s22] =	ssyncadd.s32 s4;
	_ =	sdelay $0x1  }
0xa1: {  	s23 =	simm.s32 $0x1B8B  }
0xa2: {  	_ =	swait.ge [sflag:s23], $0x1  }
0xa3: {  	[sflag:s23] =	ssyncset.done $0x0  }
0xa4: {  	s25 =	simm.s32 $0x1B8E;
	s24 =	sld [smem:$0x3FFE];
	[sflag:s23] =	ssyncadd.s32 $0xFFFFFFFF  }
0xa5: {  	s26 =	simm.s32 $execute0_lowered;
	[smem:$0x3FD2] =	sst s25  }
0xa6: {  	s5 =	sshll.u32 s26, $0x1;
	_ =	strace $0x80000046;
	[dreg:$0x1] =	wrdreg $0xFFFFFFFF  }
0xa7: {  	s28 =	simm.s32 $_size_execute0_lowered;
	s3 =	sadd.s32 s3, s5;
	[dreg:$0x0] =	wrdreg $0x0  }
0xa8: {  	s5 =	sshll.u32 s28, $0x1;
	[dreg:$0x2] =	wrdreg s3  }
0xa9: {  	[dreg:$0x3] =	wrdreg s5  }
0xaa: {  	[dreg:$0x4] =	wrdreg $0xC0  }
0xab: {  	_ =	task [dreg:s7], $0x5FFFF  }
0xac: {  	[dreg:$0x1] =	wrdreg $0xFFFFFFFF  }
0xad: {  	[dreg:$0x0] =	wrdreg $0x60  }
0xae: {  	[dreg:$0x2] =	wrdreg s24  }
0xaf: {  	[dreg:$0x3] =	wrdreg s2  }
0xb0: {  	[dreg:$0x4] =	wrdreg $0x9  }
0xb1: {  	_ =	task.clear_ibuf [dreg:s7], $0x5FFFF;
	_ =	strace $0x90000046  }
0xb2: {  	s29 =	simm.s32 $0x9;
	_ =	strace $0x80000048  }
0xb3: {  	_ =	swait.ge [sflag:s29], $0x1  }
0xb4: {  	[sflag:s29] =	ssyncadd.s32 $0xFFFFFFFF  }
0xb5: {  	_ =	strace $0x90000048  }
0xb6: {  	_ =	sfence  }
0xb7: {  	s30 =	sld [smem:$0x0];
	_ =	sdelay $0x2  }
0xb8: {  	s31 =	sshll.u32 s1, $0xD;
	s1 =	sshrl.u32 s1, $0x2  }
0xb9: {  	s3 =	sand.u32 $0x4000, s31;
	s1 =	sadd.s32 s1, s30  }
0xba: {  	s0 =	sor.u32 s3, s0;
	s1 =	sshll.u32 s1, $0x11  }
0xbb: {  	s0 =	sor.u32 s1, s0  }
0xbc: {  	s0 =	sadd.s32 $0x8F2B, s0  }
0xbd: {  	[sflag:s0] =	ssyncadd.remote.s32 $0x1  }
0xbe: {  	_ =	sfence.sel $0xFFFF  }
0xbf: {  	[dreg:$0x0] =	wrdreg $0xFFFFFFFF;
	(pc) =	sbr.abs _section_cstart, $3  }
0xc0: {  	[dreg:$0x1] =	wrdreg $0xFFFFFFFF  }
0xc1: {  	_ =	task.clear_ibuf [dreg:s7], $0x2FFFF;
	_ =	strace $0x9FFFFFFF  }
0xc2: {  	(tm) =	ssettm $0x7FFFFFFF  }
0xc3: {  	_ =	shalt  }
tec
execute0_lowered:
.L_overlay_start_1:
0x0: {  	(tag) =	ssettag $0x1  }
0x1: {  	s4 =	rddreg [dreg:$0x0]  }
0x2: {  	s5 =	rddreg [dreg:$0x1]  }
0x3: {  	s0 =	rddreg [dreg:$0x2];
	s2 =	simm.s32 $0x0;
	s1 =	stileid.u32  }
0x4: {  	s6 =	srdreg.scid;
	s11 =	simm.s32 $0x9000;
	s12 =	simm.s32 $0xD000  }
0x5: {  	s13 =	simm.s32 $0x1;
	s14 =	simm.s32 $0x0;
	[smem:$0x7FF] =	sst s2  }
0x6: {  	s3 =	sadd.s32 $0x49C800, s4;
	s7 =	sshll.u32 s1, $0x11;
	s6 =	sand.u32 $0x1, s6  }
0x7: {  	s9 =	sshll.u32 s1, $0xD;
	_ =	strace $0x80000047;
	s8 =	ssub.s32 $0x2, s6  }
0x8: {  	s10 =	sshll.u32 s6, $0xC;
	s7 =	sadd.s32 s7, s4;
	s6 =	sshll.u32 s6, $0x10  }
0x9: {  	s30 =	sshrl.u32 s8, $0x1;
	s9 =	sor.u32 s10, s9;
	s6 =	sadd.s32 s6, s7  }
0xa: {  	s7 =	simm.s32 $0x2;
	s10 =	simm.s32 $0x5000;
	s8 =	ssub.s32 s8, s30  }
0xb: {  	s31 =	sshrl.u32 s9, $0x3;
	s6 =	sadd.s32 $0x5800, s6;
	s9 =	simm.s32 $0x1000  }
0xc: {  	s4 =	sadd.s32 s5, s31;
	s5 =	smax.u32 s8, $0x1;
	s8 =	simm.s32 $0x80  }
.LBB2_1:
0xd: {  	[tilespmem:s2], [sflag:$0x2] =	stream.linear.gather [hbm4b:s4+s2], $0x1000, $0x38;
	[tilespmem:$0x11000] =	vst v63  }
0xe: {  	_ =	swait.ge [sflag:s7], $0x1000  }
0xf: {  	[sflag:s7] =	ssyncset.done $0x0  }
0x10: {  	s15 =	simm.s32 $0x0;
	[sflag:s7] =	ssyncadd.s32 $0xFFFFF000  }
0x11: {  	[tilespmem:s9], [sflag:$0x1] =	stream.indirect.gather [hbm4b:s3+s8], $0x80, s15, s8, $0xb8;
	[tilespmem:$0x11000] =	vst v63  }
0x12: {  	s28 =	simm.s32 $0x80  }
0x13: {  	[tilespmem:s10], [sflag:$0x1] =	stream.indirect.gather [hbm4b:s3+s8], $0x80, s28, s8, $0xb8;
	[tilespmem:$0x11000] =	vst v63  }
0x14: {  	s29 =	simm.s32 $0x100  }
0x15: {  	[tilespmem:s11], [sflag:$0x1] =	stream.indirect.gather [hbm4b:s3+s8], $0x80, s29, s8, $0xb8;
	[tilespmem:$0x11000] =	vst v63  }
0x16: {  	s30 =	simm.s32 $0x180  }
0x17: {  	[tilespmem:s12], [sflag:$0x1] =	stream.indirect.gather [hbm4b:s3+s8], $0x80, s30, s8, $0xb8;
	[tilespmem:$0x11000] =	vst v63  }
0x18: {  	_ =	swait.ge [sflag:s13], $0x4000  }
0x19: {  	[sflag:s13] =	ssyncset.done $0x0  }
0x1a: {  	[sflag:s13] =	ssyncadd.s32 $0xFFFFC000  }
0x1b: {  	_ =	swait.ge [sflag:s13], $0x4000  }
0x1c: {  	[sflag:s13] =	ssyncset.done $0x0  }
0x1d: {  	[sflag:s13] =	ssyncadd.s32 $0xFFFFC000  }
0x1e: {  	_ =	swait.ge [sflag:s13], $0x4000  }
0x1f: {  	[sflag:s13] =	ssyncset.done $0x0  }
0x20: {  	[sflag:s13] =	ssyncadd.s32 $0xFFFFC000  }
0x21: {  	_ =	swait.ge [sflag:s13], $0x4000  }
0x22: {  	[sflag:s13] =	ssyncset.done $0x0  }
0x23: {  	s31 =	sadd.s32 $0x0, s6;
	[sflag:s13] =	ssyncadd.s32 $0xFFFFC000  }
0x24: {  	[hbm4b:s31+s2] =	stream.linear.scatter [tilespmem:s9], [sflag:$0x2], $0x10000, $0x38;
	[tilespmem:$0x11000] =	vst v63  }
0x25: {  	s17 =	simm.s32 $0x4000;
	_ =	swait.ge [sflag:s7], $0x10000  }
0x26: {  	s16 =	simm.s32 $0x380;
	s15 =	simm.s32 $0x2000;
	[sflag:s7] =	ssyncset.done $0x0  }
.LBB2_2:
0x27: {  	p0 =	sne.s32 s17, $0xE000;
	s18 =	sadd.s32 $0xFFFFFE80, s16;
	[sflag:s7] =	ssyncadd.s32 $0xFFFF0000  }
0x28: {  	[tilespmem:s9], [sflag:$0x1] =	stream.indirect.gather [hbm4b:s3+s8], $0x80, s18, s8, $0xb8;
	[tilespmem:$0x11000] =	vst v63  }
0x29: {  	s19 =	smov.u32 s17;
	s17 =	sadd.s32 $0x2000, s17;
	s18 =	sadd.s32 $0xFFFFFF00, s16  }
0x2a: {  	[tilespmem:s10], [sflag:$0x1] =	stream.indirect.gather [hbm4b:s3+s8], $0x80, s18, s8, $0xb8;
	[tilespmem:$0x11000] =	vst v63  }
0x2b: {  	s18 =	sadd.s32 $0xFFFFFF80, s16  }
0x2c: {  	[tilespmem:s11], [sflag:$0x1] =	stream.indirect.gather [hbm4b:s3+s8], $0x80, s18, s8, $0xb8;
	[tilespmem:$0x11000] =	vst v63  }
0x2d: {  	_ = 	snop  }
0x2e: {  	[tilespmem:s12], [sflag:$0x1] =	stream.indirect.gather [hbm4b:s3+s8], $0x80, s16, s8, $0xb8;
	[tilespmem:$0x11000] =	vst v63  }
0x2f: {  	_ =	swait.ge [sflag:s13], $0x4000  }
0x30: {  	[sflag:s13] =	ssyncset.done $0x0  }
0x31: {  	[sflag:s13] =	ssyncadd.s32 $0xFFFFC000  }
0x32: {  	_ =	swait.ge [sflag:s13], $0x4000  }
0x33: {  	[sflag:s13] =	ssyncset.done $0x0  }
0x34: {  	[sflag:s13] =	ssyncadd.s32 $0xFFFFC000  }
0x35: {  	_ =	swait.ge [sflag:s13], $0x4000  }
0x36: {  	[sflag:s13] =	ssyncset.done $0x0  }
0x37: {  	[sflag:s13] =	ssyncadd.s32 $0xFFFFC000  }
0x38: {  	_ =	swait.ge [sflag:s13], $0x4000  }
.Ltmp0:
0x39: {  	[sflag:s13] =	ssyncset.done $0x0;
	(pc) =	sbr.rel @p0 .LBB2_2-.Ltmp0, $4  }
0x3a: {  	s18 =	sadd.s32 s15, s6;
	s15 =	smov.u32 s19;
	[sflag:s13] =	ssyncadd.s32 $0xFFFFC000  }
0x3b: {  	[hbm4b:s18+s2] =	stream.linear.scatter [tilespmem:s9], [sflag:$0x2], $0x10000, $0x38;
	[tilespmem:$0x11000] =	vst v63  }
0x3c: {  	_ =	swait.ge [sflag:s7], $0x10000  }
0x3d: {  	s16 =	sadd.s32 $0x200, s16;
	[sflag:s7] =	ssyncset.done $0x0  }
0x3e: {  	s17 =	sadd.s32 $0xFFFFFE80, s16;
	[sflag:s7] =	ssyncadd.s32 $0xFFFF0000  }
0x3f: {  	[tilespmem:s9], [sflag:$0x1] =	stream.indirect.gather [hbm4b:s3+s8], $0x80, s17, s8, $0xb8;
	[tilespmem:$0x11000] =	vst v63  }
0x40: {  	s30 =	sadd.s32 $0xFFFFFF00, s16  }
0x41: {  	[tilespmem:s10], [sflag:$0x1] =	stream.indirect.gather [hbm4b:s3+s8], $0x80, s30, s8, $0xb8;
	[tilespmem:$0x11000] =	vst v63  }
0x42: {  	s31 =	sadd.s32 $0xFFFFFF80, s16  }
0x43: {  	[tilespmem:s11], [sflag:$0x1] =	stream.indirect.gather [hbm4b:s3+s8], $0x80, s31, s8, $0xb8;
	[tilespmem:$0x11000] =	vst v63  }
0x44: {  	_ = 	snop  }
0x45: {  	[tilespmem:s12], [sflag:$0x1] =	stream.indirect.gather [hbm4b:s3+s8], $0x80, s16, s8, $0xb8;
	[tilespmem:$0x11000] =	vst v63  }
0x46: {  	_ =	swait.ge [sflag:s13], $0x4000  }
0x47: {  	[sflag:s13] =	ssyncset.done $0x0  }
0x48: {  	[sflag:s13] =	ssyncadd.s32 $0xFFFFC000  }
0x49: {  	_ =	swait.ge [sflag:s13], $0x4000  }
0x4a: {  	[sflag:s13] =	ssyncset.done $0x0  }
0x4b: {  	[sflag:s13] =	ssyncadd.s32 $0xFFFFC000  }
0x4c: {  	_ =	swait.ge [sflag:s13], $0x4000  }
0x4d: {  	[sflag:s13] =	ssyncset.done $0x0  }
0x4e: {  	[sflag:s13] =	ssyncadd.s32 $0xFFFFC000  }
0x4f: {  	s14 =	sadd.s32 $0x1, s14;
	_ =	swait.ge [sflag:s13], $0x4000  }
0x50: {  	p0 =	sne.s32 s14, s5;
	[sflag:s13] =	ssyncset.done $0x0  }
.Ltmp1:
0x51: {  	s15 =	sadd.s32 s15, s6;
	[sflag:s13] =	ssyncadd.s32 $0xFFFFC000;
	(pc) =	sbr.rel @p0 .LBB2_1-.Ltmp1, $4  }
0x52: {  	[hbm4b:s15+s2] =	stream.linear.scatter [tilespmem:s9], [sflag:$0x2], $0x10000, $0x38;
	[tilespmem:$0x11000] =	vst v63  }
0x53: {  	_ =	swait.ge [sflag:s7], $0x10000  }
0x54: {  	[sflag:s7] =	ssyncset.done $0x0  }
0x55: {  	[sflag:s7] =	ssyncadd.s32 $0xFFFF0000  }
0x56: {  	_ =	sfence.sel $0x180000  }
0x57: {  	[bflag:$0x0] =	sbarrier.arrive $0xFFFF  }
0x58: {  	p0 =	sne.s32 s1, $0x0;
	_ =	strace $0x90000047  }
0x59: {  	s0 =	sadd.s32 @!p0 $0x100000, s0;
	[bflag:$0x2] =	sbarrier.arrive $0xFFFF  }
0x5a: {  	[sflag:s0] =	ssyncadd.tile.s32 @!p0 $0x1;
	_ =	shalt  }
.Lfunc_end2:
_tile_overlayer_lowered:
.L_overlay_start_2:
0x5b: {  	(tag) =	ssettag $0x2  }
0x5c: {  	s0 =	rddreg [dreg:$0x0];
	s2 =	stileid.u32  }
0x5d: {  	s1 =	rddreg [dreg:$0x1];
	p0 =	sne.s32 s2, $0x0  }
0x5e: {  	s3 =	rddreg [dreg:$0x2];
	[bflag:$0x3] =	sbarrier.arrive $0xFFFF;
	s2 =	simm.s32 @!p0 $0x1C02  }
0x5f: {  	[timem:s3], [sflag:s2] =	dma.local @!p0 [hbm:s0], s1  }
0x60: {  	s0 =	simm.s32 @!p0 $0x2  }
0x61: {  	_ =	swait.ge @!p0 [sflag:s0], s1  }
0x62: {  	s1 =	ssub.s32 @!p0 $0x0, s1;
	[sflag:s0] =	ssyncset.done @!p0 $0x0  }
0x63: {  	[sflag:s0] =	ssyncadd.s32 @!p0 s1  }
0x64: {  	[bflag:$0x3] =	sbarrier.arrive $0xFFFF  }
0x65: {  	_ =	shalt  }

// kernel: kernel.13.cloned.1.call-start
scs
__scs_entry_jumppad:
0x0: {  	(pc) =	sbr.rel $0x88, $3  }
0x1: {  	(tag) =	ssettag $0x0;
	lr =	simm.s32 $0x1  }
0x2: {  	[smem:$0x3F86] =	sst lr;
	_ =	strace $0xD0000000  }
0x3: {  	_ = 	snop  }
0x4: {  	_ = 	snop  }
0x5: {  	_ = 	snop  }
0x6: {  	_ = 	snop  }
0x7: {  	_ = 	snop  }
__scs_overlays_trampoline_lowered:
0x8: {  	[smem:$0x3F95] =	sst s0  }
0x9: {  	[smem:$0x3F96] =	sst s1  }
0xa: {  	[smem:$0x3F97] =	sst s2  }
0xb: {  	[smem:$0x3F98] =	sst s3  }
0xc: {  	[smem:$0x3F99] =	sst s4  }
0xd: {  	[smem:$0x3F9A] =	sst s5  }
0xe: {  	[smem:$0x3F9B] =	sst s6  }
0xf: {  	[smem:$0x3F9C] =	sst s7  }
0x10: {  	[smem:$0x3F9D] =	sst s8  }
0x11: {  	[smem:$0x3F9E] =	sst s9;
	s0 =	simm.s32 @!p0 $0x0  }
0x12: {  	s1 =	sld [smem:$0x3F84];
	s0 =	simm.s32 @p0 $0x1  }
0x13: {  	[smem:$0x3F9F] =	sst s0;
	s0 =	simm.s32 @!p1 $0x0  }
0x14: {  	s2 =	sld [smem:$0x3F83];
	s0 =	simm.s32 @p1 $0x1  }
0x15: {  	[smem:$0x3FA0] =	sst s0;
	s0 =	simm.s32 @!p2 $0x0  }
0x16: {  	s3 =	sld [smem:$0x3FDB];
	s0 =	simm.s32 @p2 $0x1  }
0x17: {  	s4 =	simm.s32 $0x1BF5;
	[smem:$0x3FA2] =	sst s0  }
0x18: {  	s0 =	sld [smem:$0x3F85];
	_ =	swait.ge [sflag:s4], $0x0  }
0x19: {  	s7 =	sld [smem:$0x3F86]  }
0x1a: {  	s8 =	sadd.s32 $0xFFFFE003, lr  }
0x1b: {  	s9 =	sadd.s32 $0xFFFFFEF7, lr;
	s5 =	simm.s32 $0xFFFFFFFF;
	p2 =	slt.u32 s8, $0xFFFFF086  }
0x1c: {  	p1 =	slt.u32 s9, $0xF7A;
	s5 =	simm.s32 @!p2 $0x0  }
0x1d: {  	s5 =	simm.s32 @p1 $0x1;
	p0 =	seq.s32 s7, s2  }
0x1e: {  	s7 =	smul.u32 @!p0 $0xF7A, s2;
	p2 =	seq.s32 @!p0 s5, $0x0  }
0x1f: {  	s9 =	smul.u32 $0xF7A, s1;
	s8 =	simm.s32 @!p0 $0x1BF5;
	p2 =	por !p2, p0  }
0x20: {  	[sflag:s8] =	ssyncset.s32 @!p0 $0xFFFFF086;
	s6 =	sadd.s32 @!p0 s3, s7;
	s7 =	simm.s32 @!p0 $0x108  }
0x21: {  	s3 =	sadd.s32 s3, s9;
	s6 =	sadd.s32 @!p0 $0x88, s6;
	s7 =	simm.s32 @p2 $0x1082  }
0x22: {  	[simem:s7], [sflag:s8] =	dma.local @!p0 [hbm:s6], $0xF7A  }
0x23: {  	s9 =	sor.u32 $0xD0000000, s2;
	s6 =	simm.s32 $0x108;
	_ =	swait.ge @!p0 [sflag:s8], $0x0  }
0x24: {  	s3 =	sadd.s32 $0x88, s3;
	s6 =	simm.s32 @!p1 $0x1082;
	[sflag:s4] =	ssyncset.s32 $0xFFFFF086  }
0x25: {  	[simem:s6], [sflag:s4] =	dma.local [hbm:s3], $0xF7A  }
0x26: {  	[smem:$0x3F86] =	sst s1;
	(tag) =	ssettag s2;
	_ =	strace s9  }
0x27: {  	s1 =	sld [smem:$0x3F96]  }
0x28: {  	s2 =	sld [smem:$0x3F97]  }
0x29: {  	s4 =	sld [smem:$0x3F99]  }
0x2a: {  	p0 =	seq.s32 s5, $0x0;
	s5 =	sld [smem:$0x3F9A]  }
0x2b: {  	s6 =	sld [smem:$0x3F9B]  }
0x2c: {  	s7 =	sld [smem:$0x3F9C]  }
0x2d: {  	s3 =	simm.s32 $0x108;
	s8 =	sld [smem:$0x3F9D]  }
0x2e: {  	s3 =	simm.s32 @!p0 $0x1082;
	s9 =	sld [smem:$0x3F9E]  }
0x2f: {  	lr =	sadd.s32 s0, s3;
	s0 =	sld [smem:$0x3F95]  }
0x30: {  	s3 =	sld [smem:$0x3F98]  }
0x31: {  	[smem:$0x3FA1] =	sst s10  }
0x32: {  	s10 =	sld [smem:$0x3F9F];
	_ =	sdelay $0x3  }
0x33: {  	p0 =	seq.s32 s10, $0x1;
	s10 =	sld [smem:$0x3FA1];
	_ =	sdelay $0x3  }
0x34: {  	[smem:$0x3FA1] =	sst s10  }
0x35: {  	s10 =	sld [smem:$0x3FA0];
	_ =	sdelay $0x3  }
0x36: {  	p1 =	seq.s32 s10, $0x1;
	s10 =	sld [smem:$0x3FA1];
	_ =	sdelay $0x3  }
0x37: {  	[smem:$0x3FA1] =	sst s10  }
0x38: {  	s10 =	sld [smem:$0x3FA2]  }
0x39: {  	_ = 	snop;
	(pc) =	sbr.ind lr, $3  }
0x3a: {  	_ = 	snop  }
0x3b: {  	_ = 	snop  }
0x3c: {  	p2 =	seq.s32 s10, $0x1;
	s10 =	sld [smem:$0x3FA1]  }
0x3d: {  	_ =	shalt  }
0x3e: {  	_ =	shalt  }
0x3f: {  	_ =	shalt  }
0x40: {  	_ =	shalt  }
0x41: {  	_ =	shalt  }
0x42: {  	_ =	shalt  }
0x43: {  	_ =	shalt  }
0x44: {  	_ =	shalt  }
0x45: {  	_ =	shalt  }
0x46: {  	_ =	shalt  }
0x47: {  	_ =	shalt  }
0x48: {  	_ =	shalt  }
0x49: {  	_ =	shalt  }
0x4a: {  	_ =	shalt  }
0x4b: {  	_ =	shalt  }
0x4c: {  	_ =	shalt  }
0x4d: {  	_ =	shalt  }
0x4e: {  	_ =	shalt  }
0x4f: {  	_ =	shalt  }
0x50: {  	_ =	shalt  }
0x51: {  	_ =	shalt  }
0x52: {  	_ =	shalt  }
0x53: {  	_ =	shalt  }
0x54: {  	_ =	shalt  }
0x55: {  	_ =	shalt  }
0x56: {  	_ =	shalt  }
0x57: {  	_ =	shalt  }
0x58: {  	_ =	shalt  }
0x59: {  	_ =	shalt  }
0x5a: {  	_ =	shalt  }
0x5b: {  	_ =	shalt  }
0x5c: {  	_ =	shalt  }
0x5d: {  	_ =	shalt  }
0x5e: {  	_ =	shalt  }
0x5f: {  	_ =	shalt  }
0x60: {  	_ =	shalt  }
0x61: {  	_ =	shalt  }
0x62: {  	_ =	shalt  }
0x63: {  	_ =	shalt  }
0x64: {  	_ =	shalt  }
0x65: {  	_ =	shalt  }
0x66: {  	_ =	shalt  }
0x67: {  	_ =	shalt  }
0x68: {  	_ =	shalt  }
0x69: {  	_ =	shalt  }
0x6a: {  	_ =	shalt  }
0x6b: {  	_ =	shalt  }
0x6c: {  	_ =	shalt  }
0x6d: {  	_ =	shalt  }
0x6e: {  	_ =	shalt  }
0x6f: {  	_ =	shalt  }
0x70: {  	_ =	shalt  }
0x71: {  	_ =	shalt  }
0x72: {  	_ =	shalt  }
0x73: {  	_ =	shalt  }
0x74: {  	_ =	shalt  }
0x75: {  	_ =	shalt  }
0x76: {  	_ =	shalt  }
0x77: {  	_ =	shalt  }
0x78: {  	_ =	shalt  }
0x79: {  	_ =	shalt  }
0x7a: {  	_ =	shalt  }
0x7b: {  	_ =	shalt  }
0x7c: {  	_ =	shalt  }
0x7d: {  	_ =	shalt  }
0x7e: {  	_ =	shalt  }
0x7f: {  	_ =	shalt  }
0x80: {  	_ =	shalt  }
0x81: {  	_ =	shalt  }
0x82: {  	_ =	shalt  }
0x83: {  	_ =	shalt  }
0x84: {  	_ =	shalt  }
0x85: {  	_ =	shalt  }
0x86: {  	_ =	shalt  }
0x87: {  	_ =	shalt  }
.Lfunc_end0:
.L_simem_size_0:
called_computation.1_lowered:
.L_overlay_start_0:
0x88: {  	s2 =	sld [smem:$0x3FD9]  }
0x89: {  	s3 =	sld [smem:$0x3FFE];
	_ =	sdelay $0x1  }
0x8a: {  	s1 =	srdreg.scid  }
0x8b: {  	s0 =	sand.u32 $0x1, s1  }
0x8c: {  	s17 =	sshll.u32 s0, $0xA;
	s2 =	sadd.s32 s3, s2  }
0x8d: {  	s2 =	sadd.s32 s2, s17  }
0x8e: {  	[smem:$0x3FAD] =	sst s2  }
0x8f: {  	_ = 	snop  }
0x90: {  	s2 =	sld [smem:$0x3FD0];
	(tm) =	ssettm $0x1  }
0x91: {  	s18 =	sld [smem:$0x3FFB];
	_ =	sdelay $0x3  }
0x92: {  	_ =	strace s18  }
0x93: {  	s3 =	sld [smem:$0x3FFC];
	_ =	sdelay $0x3  }
0x94: {  	_ =	strace s3  }
0x95: {  	s3 =	sld [smem:$0x3FFD];
	_ =	sdelay $0x3  }
0x96: {  	_ =	strace s3  }
0x97: {  	_ =	strace $0x8FFFFFFF  }
0x98: {  	s19 =	sld [smem:$0x3FDB];
	_ =	sdelay $0x1  }
0x99: {  	s4 =	simm.s32 $_scs_section_size  }
0x9a: {  	s5 =	simm.s32 $_size__tile_overlayer_lowered;
	s6 =	simm.s32 $_tile_overlayer_lowered  }
0x9b: {  	s22 =	simm.s32 $0x1BFF;
	s21 =	sshll.u32 s6, $0x1;
	s3 =	sadd.s32 s4, s19  }
0x9c: {  	s7 =	simm.s32 $0x0;
	s20 =	sshll.u32 s5, $0x1;
	s5 =	sadd.s32 s21, s3  }
0x9d: {  	[timem:s7], [sflag:s22] =	dma.local [hbm:s5], s20  }
0x9e: {  	_ =	swait.ge [sflag:s22], s20  }
0x9f: {  	s4 =	ssub.s32 $0x0, s20;
	[sflag:s22] =	ssyncset.done $0x0  }
0xa0: {  	[sflag:s22] =	ssyncadd.s32 s4;
	_ =	sdelay $0x1  }
0xa1: {  	s23 =	simm.s32 $0x1B8B  }
0xa2: {  	_ =	swait.ge [sflag:s23], $0x1  }
0xa3: {  	[sflag:s23] =	ssyncset.done $0x0  }
0xa4: {  	s25 =	simm.s32 $0x1B8E;
	s24 =	sld [smem:$0x3FFE];
	[sflag:s23] =	ssyncadd.s32 $0xFFFFFFFF  }
0xa5: {  	s26 =	simm.s32 $execute0_lowered;
	[smem:$0x3FD2] =	sst s25  }
0xa6: {  	s5 =	sshll.u32 s26, $0x1;
	_ =	strace $0x80000049;
	[dreg:$0x1] =	wrdreg $0xFFFFFFFF  }
0xa7: {  	s28 =	simm.s32 $_size_execute0_lowered;
	s3 =	sadd.s32 s3, s5;
	[dreg:$0x0] =	wrdreg $0x0  }
0xa8: {  	s5 =	sshll.u32 s28, $0x1;
	[dreg:$0x2] =	wrdreg s3  }
0xa9: {  	[dreg:$0x3] =	wrdreg s5  }
0xaa: {  	[dreg:$0x4] =	wrdreg $0xC0  }
0xab: {  	_ =	task [dreg:s7], $0x5FFFF  }
0xac: {  	[dreg:$0x1] =	wrdreg $0xFFFFFFFF  }
0xad: {  	[dreg:$0x0] =	wrdreg $0x60  }
0xae: {  	[dreg:$0x2] =	wrdreg s24  }
0xaf: {  	[dreg:$0x3] =	wrdreg s2  }
0xb0: {  	[dreg:$0x4] =	wrdreg $0x40800  }
0xb1: {  	[dreg:$0x5] =	wrdreg $0x9  }
0xb2: {  	_ =	task.clear_ibuf [dreg:s7], $0x6FFFF;
	_ =	strace $0x90000049  }
0xb3: {  	s29 =	simm.s32 $0x9;
	_ =	strace $0x8000004B  }
0xb4: {  	_ =	swait.ge [sflag:s29], $0x1  }
0xb5: {  	[sflag:s29] =	ssyncadd.s32 $0xFFFFFFFF  }
0xb6: {  	_ =	strace $0x9000004B  }
0xb7: {  	_ =	sfence  }
0xb8: {  	s30 =	sld [smem:$0x0];
	_ =	sdelay $0x2  }
0xb9: {  	s31 =	sshll.u32 s1, $0xD;
	s1 =	sshrl.u32 s1, $0x2  }
0xba: {  	s3 =	sand.u32 $0x4000, s31;
	s1 =	sadd.s32 s1, s30  }
0xbb: {  	s0 =	sor.u32 s3, s0;
	s1 =	sshll.u32 s1, $0x11  }
0xbc: {  	s0 =	sor.u32 s1, s0  }
0xbd: {  	s0 =	sadd.s32 $0x8F2B, s0  }
0xbe: {  	[sflag:s0] =	ssyncadd.remote.s32 $0x1  }
0xbf: {  	_ =	sfence.sel $0xFFFF  }
0xc0: {  	[dreg:$0x0] =	wrdreg $0xFFFFFFFF;
	(pc) =	sbr.abs _section_cstart, $3  }
0xc1: {  	[dreg:$0x1] =	wrdreg $0xFFFFFFFF  }
0xc2: {  	_ =	task.clear_ibuf [dreg:s7], $0x2FFFF;
	_ =	strace $0x9FFFFFFF  }
0xc3: {  	(tm) =	ssettm $0x7FFFFFFF  }
tec
execute0_lowered:
.L_overlay_start_1:
0x0: {  	(tag) =	ssettag $0x1  }
0x1: {  	s5 =	rddreg [dreg:$0x0]  }
0x2: {  	s2 =	rddreg [dreg:$0x1]  }
0x3: {  	s3 =	rddreg [dreg:$0x2]  }
0x4: {  	s0 =	rddreg [dreg:$0x3]  }
0x5: {  	s1 =	stileid.u32;
	s6 =	srdreg.scid  }
0x6: {  	s4 =	simm.s32 $0x0;
	s13 =	simm.s32 $0x0;
	s6 =	sand.u32 $0x1, s6  }
0x7: {  	s7 =	smul.u32 $0x3100, s1;
	[smem:$0x7FF] =	sst s4;
	s8 =	sshll.u32 s1, $0x11  }
0x8: {  	s26 =	smul.u32 $0x62000, s1;
	s30 =	sshll.u32 s1, $0x6;
	s31 =	sshll.u32 s1, $0xD  }
0x9: {  	s9 =	smul.u32 $0x31000, s6;
	_ =	strace $0x8000004A;
	s10 =	sshll.u32 s6, $0x11  }
0xa: {  	s8 =	sadd.s32 s8, s5;
	s6 =	ssub.s32 $0x2, s6;
	s10 =	sadd.s32 s10, s5  }
0xb: {  	s28 =	sshrl.u32 s6, $0x1;
	s29 =	sshrl.u32 s26, $0x2;
	s8 =	sadd.s32 $0x663200, s8  }
0xc: {  	s7 =	sadd.s32 s7, s9;
	s11 =	ssub.s32 s6, s28;
	s12 =	sadd.s32 s29, s3  }
0xd: {  	s9 =	sadd.s32 s31, s10;
	s7 =	sadd.s32 s7, s5;
	s5 =	sor.u32 $0x1C01, s30  }
0xe: {  	s9 =	sadd.s32 $0x623200, s9;
	s10 =	sshrl.u32 s12, $0x3;
	s12 =	simm.s32 $0x80  }
0xf: {  	s6 =	sadd.s32 $0x309800, s7;
	s7 =	smax.u32 s11, $0x1;
	s11 =	simm.s32 $0x1  }
.LBB2_1:
0x10: {  	[spmem:s10], [sflag:s5] =	dma.local [hbm:s2], $0x3100  }
0x11: {  	_ =	swait.ge [sflag:s11], $0x3100  }
0x12: {  	[sflag:s11] =	ssyncset.done $0x0  }
0x13: {  	[sflag:s11] =	ssyncadd.s32 $0xFFFFCF00  }
0x14: {  	s14 =	sadd.s32 $0x0, s9;
	[bflag:$0x0] =	sbarrier.arrive $0xFFFF  }
0x15: {  	[tilespmem:s4], [sflag:$0x1] =	stream.linear.gather [hbm4b:s14+s4], $0x80, $0x38;
	[tilespmem:$0x1C8C0] =	vst v63  }
0x16: {  	_ =	swait.ge [sflag:s11], $0x80  }
0x17: {  	[sflag:s11] =	ssyncset.done $0x0  }
0x18: {  	[sflag:s11] =	ssyncadd.s32 $0xFFFFFF80  }
0x19: {  	[tilespmem:s12], [sflag:$0x1] =	stream.linear.gather [hbm4b:s8+s4], $0x4000, $0x38;
	[tilespmem:$0x1C8C0] =	vst v63  }
0x1a: {  	_ =	swait.ge [sflag:s11], $0x4000  }
0x1b: {  	[sflag:s11] =	ssyncset.done $0x0  }
0x1c: {  	[sflag:s11] =	ssyncadd.s32 $0xFFFFC000  }
0x1d: {  	[spmem:s3] =	stream.indirect.scatter.add.f32 [tilespmem:s12], [sflag:$0x1], $0x80, s4, s12, $0xb8;
	[tilespmem:$0x1C8C0] =	vst v63  }
0x1e: {  	s15 =	simm.s32 $0x80;
	_ =	swait.ge [sflag:s11], $0x4000  }
0x1f: {  	s16 =	simm.s32 $0x100;
	s14 =	sadd.s32 $0x800, s8;
	[sflag:s11] =	ssyncset.done $0x0  }
.LBB2_2:
0x20: {  	s17 =	sadd.s32 s15, s9  }
0x21: {  	[sflag:s11] =	ssyncadd.s32 $0xFFFFC000;
	s15 =	smov.u32 s16;
	s18 =	sadd.s32 $0x80, s16  }
0x22: {  	[tilespmem:s4], [sflag:$0x1] =	stream.linear.gather [hbm4b:s17+s4], $0x80, $0x38;
	[tilespmem:$0x1C8C0] =	vst v63  }
0x23: {  	p0 =	sne.s32 s16, $0x1F80;
	_ =	swait.ge [sflag:s11], $0x80  }
0x24: {  	[sflag:s11] =	ssyncset.done $0x0  }
0x25: {  	[sflag:s11] =	ssyncadd.s32 $0xFFFFFF80  }
0x26: {  	[tilespmem:s12], [sflag:$0x1] =	stream.linear.gather [hbm4b:s14+s4], $0x4000, $0x38;
	[tilespmem:$0x1C8C0] =	vst v63  }
0x27: {  	_ =	swait.ge [sflag:s11], $0x4000  }
.Ltmp0:
0x28: {  	[sflag:s11] =	ssyncset.done $0x0;
	(pc) =	sbr.rel @p0 .LBB2_2-.Ltmp0, $4  }
0x29: {  	[sflag:s11] =	ssyncadd.s32 $0xFFFFC000  }
0x2a: {  	[spmem:s3] =	stream.indirect.scatter.add.f32 [tilespmem:s12], [sflag:$0x1], $0x80, s4, s12, $0xb8;
	[tilespmem:$0x1C8C0] =	vst v63  }
0x2b: {  	_ =	swait.ge [sflag:s11], $0x4000  }
0x2c: {  	s16 =	smov.u32 s18;
	s14 =	sadd.s32 $0x800, s14;
	[sflag:s11] =	ssyncset.done $0x0  }
0x2d: {  	s15 =	sadd.s32 s15, s9;
	[sflag:s11] =	ssyncadd.s32 $0xFFFFC000  }
0x2e: {  	[tilespmem:s4], [sflag:$0x1] =	stream.linear.gather [hbm4b:s15+s4], $0x80, $0x38;
	[tilespmem:$0x1C8C0] =	vst v63  }
0x2f: {  	_ =	swait.ge [sflag:s11], $0x80  }
0x30: {  	[sflag:s11] =	ssyncset.done $0x0  }
0x31: {  	[sflag:s11] =	ssyncadd.s32 $0xFFFFFF80  }
0x32: {  	[tilespmem:s12], [sflag:$0x1] =	stream.linear.gather [hbm4b:s14+s4], $0x4000, $0x38;
	[tilespmem:$0x1C8C0] =	vst v63  }
0x33: {  	_ =	swait.ge [sflag:s11], $0x4000  }
0x34: {  	[sflag:s11] =	ssyncset.done $0x0  }
0x35: {  	[sflag:s11] =	ssyncadd.s32 $0xFFFFC000  }
0x36: {  	[spmem:s3] =	stream.indirect.scatter.add.f32 [tilespmem:s12], [sflag:$0x1], $0x80, s4, s12, $0xb8;
	[tilespmem:$0x1C8C0] =	vst v63  }
0x37: {  	_ =	swait.ge [sflag:s11], $0x4000  }
0x38: {  	s13 =	sadd.s32 $0x1, s13;
	[sflag:s11] =	ssyncset.done $0x0  }
0x39: {  	p0 =	sne.s32 s13, s7;
	[sflag:s11] =	ssyncadd.s32 $0xFFFFC000  }
.Ltmp1:
0x3a: {  	[bflag:$0x0] =	sbarrier.arrive $0xFFFF;
	(pc) =	sbr.rel @p0 .LBB2_1-.Ltmp1, $4  }
0x3b: {  	[hbm:s6], [sflag:s5] =	dma.local [spmem:s10], $0x3100  }
0x3c: {  	_ =	swait.ge [sflag:s11], $0x3100  }
0x3d: {  	[sflag:s11] =	ssyncset.done $0x0  }
0x3e: {  	[sflag:s11] =	ssyncadd.s32 $0xFFFFCF00  }
0x3f: {  	_ =	sfence.sel $0x180000  }
0x40: {  	[bflag:$0x0] =	sbarrier.arrive $0xFFFF  }
0x41: {  	p0 =	sne.s32 s1, $0x0;
	_ =	strace $0x9000004A  }
0x42: {  	s0 =	sadd.s32 @!p0 $0x100000, s0;
	[bflag:$0x2] =	sbarrier.arrive $0xFFFF  }
0x43: {  	[sflag:s0] =	ssyncadd.tile.s32 @!p0 $0x1;
	_ =	shalt  }
.Lfunc_end2:
_tile_overlayer_lowered:
.L_overlay_start_2:
0x44: {  	(tag) =	ssettag $0x2  }
0x45: {  	s0 =	rddreg [dreg:$0x0];
	s2 =	stileid.u32  }
0x46: {  	s1 =	rddreg [dreg:$0x1];
	p0 =	sne.s32 s2, $0x0  }
0x47: {  	s3 =	rddreg [dreg:$0x2];
	[bflag:$0x3] =	sbarrier.arrive $0xFFFF;
	s2 =	simm.s32 @!p0 $0x1C01  }
0x48: {  	[timem:s3], [sflag:s2] =	dma.local @!p0 [hbm:s0], s1  }
0x49: {  	s0 =	simm.s32 @!p0 $0x1  }
0x4a: {  	_ =	swait.ge @!p0 [sflag:s0], s1  }
0x4b: {  	s1 =	ssub.s32 @!p0 $0x0, s1;
	[sflag:s0] =	ssyncset.done @!p0 $0x0  }
0x4c: {  	[sflag:s0] =	ssyncadd.s32 @!p0 s1  }
0x4d: {  	[bflag:$0x3] =	sbarrier.arrive $0xFFFF  }
0x4e: {  	_ =	shalt  }

// kernel: kernel.16.cloned.1.call-start
scs
__scs_entry_jumppad:
0x0: {  	(pc) =	sbr.rel $0x88, $3  }
0x1: {  	(tag) =	ssettag $0x0;
	lr =	simm.s32 $0x1  }
0x2: {  	[smem:$0x3F86] =	sst lr;
	_ =	strace $0xD0000000  }
0x3: {  	_ = 	snop  }
0x4: {  	_ = 	snop  }
0x5: {  	_ = 	snop  }
0x6: {  	_ = 	snop  }
0x7: {  	_ = 	snop  }
__scs_overlays_trampoline_lowered:
0x8: {  	[smem:$0x3F95] =	sst s0  }
0x9: {  	[smem:$0x3F96] =	sst s1  }
0xa: {  	[smem:$0x3F97] =	sst s2  }
0xb: {  	[smem:$0x3F98] =	sst s3  }
0xc: {  	[smem:$0x3F99] =	sst s4  }
0xd: {  	[smem:$0x3F9A] =	sst s5  }
0xe: {  	[smem:$0x3F9B] =	sst s6  }
0xf: {  	[smem:$0x3F9C] =	sst s7  }
0x10: {  	[smem:$0x3F9D] =	sst s8  }
0x11: {  	[smem:$0x3F9E] =	sst s9;
	s0 =	simm.s32 @!p0 $0x0  }
0x12: {  	s1 =	sld [smem:$0x3F84];
	s0 =	simm.s32 @p0 $0x1  }
0x13: {  	[smem:$0x3F9F] =	sst s0;
	s0 =	simm.s32 @!p1 $0x0  }
0x14: {  	s2 =	sld [smem:$0x3F83];
	s0 =	simm.s32 @p1 $0x1  }
0x15: {  	[smem:$0x3FA0] =	sst s0;
	s0 =	simm.s32 @!p2 $0x0  }
0x16: {  	s3 =	sld [smem:$0x3FDB];
	s0 =	simm.s32 @p2 $0x1  }
0x17: {  	s4 =	simm.s32 $0x1BF5;
	[smem:$0x3FA2] =	sst s0  }
0x18: {  	s0 =	sld [smem:$0x3F85];
	_ =	swait.ge [sflag:s4], $0x0  }
0x19: {  	s7 =	sld [smem:$0x3F86]  }
0x1a: {  	s8 =	sadd.s32 $0xFFFFE003, lr  }
0x1b: {  	s9 =	sadd.s32 $0xFFFFFEF7, lr;
	s5 =	simm.s32 $0xFFFFFFFF;
	p2 =	slt.u32 s8, $0xFFFFF086  }
0x1c: {  	p1 =	slt.u32 s9, $0xF7A;
	s5 =	simm.s32 @!p2 $0x0  }
0x1d: {  	s5 =	simm.s32 @p1 $0x1;
	p0 =	seq.s32 s7, s2  }
0x1e: {  	s7 =	smul.u32 @!p0 $0xF7A, s2;
	p2 =	seq.s32 @!p0 s5, $0x0  }
0x1f: {  	s9 =	smul.u32 $0xF7A, s1;
	s8 =	simm.s32 @!p0 $0x1BF5;
	p2 =	por !p2, p0  }
0x20: {  	[sflag:s8] =	ssyncset.s32 @!p0 $0xFFFFF086;
	s6 =	sadd.s32 @!p0 s3, s7;
	s7 =	simm.s32 @!p0 $0x108  }
0x21: {  	s3 =	sadd.s32 s3, s9;
	s6 =	sadd.s32 @!p0 $0x88, s6;
	s7 =	simm.s32 @p2 $0x1082  }
0x22: {  	[simem:s7], [sflag:s8] =	dma.local @!p0 [hbm:s6], $0xF7A  }
0x23: {  	s9 =	sor.u32 $0xD0000000, s2;
	s6 =	simm.s32 $0x108;
	_ =	swait.ge @!p0 [sflag:s8], $0x0  }
0x24: {  	s3 =	sadd.s32 $0x88, s3;
	s6 =	simm.s32 @!p1 $0x1082;
	[sflag:s4] =	ssyncset.s32 $0xFFFFF086  }
0x25: {  	[simem:s6], [sflag:s4] =	dma.local [hbm:s3], $0xF7A  }
0x26: {  	[smem:$0x3F86] =	sst s1;
	(tag) =	ssettag s2;
	_ =	strace s9  }
0x27: {  	s1 =	sld [smem:$0x3F96]  }
0x28: {  	s2 =	sld [smem:$0x3F97]  }
0x29: {  	s4 =	sld [smem:$0x3F99]  }
0x2a: {  	p0 =	seq.s32 s5, $0x0;
	s5 =	sld [smem:$0x3F9A]  }
0x2b: {  	s6 =	sld [smem:$0x3F9B]  }
0x2c: {  	s7 =	sld [smem:$0x3F9C]  }
0x2d: {  	s3 =	simm.s32 $0x108;
	s8 =	sld [smem:$0x3F9D]  }
0x2e: {  	s3 =	simm.s32 @!p0 $0x1082;
	s9 =	sld [smem:$0x3F9E]  }
0x2f: {  	lr =	sadd.s32 s0, s3;
	s0 =	sld [smem:$0x3F95]  }
0x30: {  	s3 =	sld [smem:$0x3F98]  }
0x31: {  	[smem:$0x3FA1] =	sst s10  }
0x32: {  	s10 =	sld [smem:$0x3F9F];
	_ =	sdelay $0x3  }
0x33: {  	p0 =	seq.s32 s10, $0x1;
	s10 =	sld [smem:$0x3FA1];
	_ =	sdelay $0x3  }
0x34: {  	[smem:$0x3FA1] =	sst s10  }
0x35: {  	s10 =	sld [smem:$0x3FA0];
	_ =	sdelay $0x3  }
0x36: {  	p1 =	seq.s32 s10, $0x1;
	s10 =	sld [smem:$0x3FA1];
	_ =	sdelay $0x3  }
0x37: {  	[smem:$0x3FA1] =	sst s10  }
0x38: {  	s10 =	sld [smem:$0x3FA2]  }
0x39: {  	_ = 	snop;
	(pc) =	sbr.ind lr, $3  }
0x3a: {  	_ = 	snop  }
0x3b: {  	_ = 	snop  }
0x3c: {  	p2 =	seq.s32 s10, $0x1;
	s10 =	sld [smem:$0x3FA1]  }
0x3d: {  	_ =	shalt  }
0x3e: {  	_ =	shalt  }
0x3f: {  	_ =	shalt  }
0x40: {  	_ =	shalt  }
0x41: {  	_ =	shalt  }
0x42: {  	_ =	shalt  }
0x43: {  	_ =	shalt  }
0x44: {  	_ =	shalt  }
0x45: {  	_ =	shalt  }
0x46: {  	_ =	shalt  }
0x47: {  	_ =	shalt  }
0x48: {  	_ =	shalt  }
0x49: {  	_ =	shalt  }
0x4a: {  	_ =	shalt  }
0x4b: {  	_ =	shalt  }
0x4c: {  	_ =	shalt  }
0x4d: {  	_ =	shalt  }
0x4e: {  	_ =	shalt  }
0x4f: {  	_ =	shalt  }
0x50: {  	_ =	shalt  }
0x51: {  	_ =	shalt  }
0x52: {  	_ =	shalt  }
0x53: {  	_ =	shalt  }
0x54: {  	_ =	shalt  }
0x55: {  	_ =	shalt  }
0x56: {  	_ =	shalt  }
0x57: {  	_ =	shalt  }
0x58: {  	_ =	shalt  }
0x59: {  	_ =	shalt  }
0x5a: {  	_ =	shalt  }
0x5b: {  	_ =	shalt  }
0x5c: {  	_ =	shalt  }
0x5d: {  	_ =	shalt  }
0x5e: {  	_ =	shalt  }
0x5f: {  	_ =	shalt  }
0x60: {  	_ =	shalt  }
0x61: {  	_ =	shalt  }
0x62: {  	_ =	shalt  }
0x63: {  	_ =	shalt  }
0x64: {  	_ =	shalt  }
0x65: {  	_ =	shalt  }
0x66: {  	_ =	shalt  }
0x67: {  	_ =	shalt  }
0x68: {  	_ =	shalt  }
0x69: {  	_ =	shalt  }
0x6a: {  	_ =	shalt  }
0x6b: {  	_ =	shalt  }
0x6c: {  	_ =	shalt  }
0x6d: {  	_ =	shalt  }
0x6e: {  	_ =	shalt  }
0x6f: {  	_ =	shalt  }
0x70: {  	_ =	shalt  }
0x71: {  	_ =	shalt  }
0x72: {  	_ =	shalt  }
0x73: {  	_ =	shalt  }
0x74: {  	_ =	shalt  }
0x75: {  	_ =	shalt  }
0x76: {  	_ =	shalt  }
0x77: {  	_ =	shalt  }
0x78: {  	_ =	shalt  }
0x79: {  	_ =	shalt  }
0x7a: {  	_ =	shalt  }
0x7b: {  	_ =	shalt  }
0x7c: {  	_ =	shalt  }
0x7d: {  	_ =	shalt  }
0x7e: {  	_ =	shalt  }
0x7f: {  	_ =	shalt  }
0x80: {  	_ =	shalt  }
0x81: {  	_ =	shalt  }
0x82: {  	_ =	shalt  }
0x83: {  	_ =	shalt  }
0x84: {  	_ =	shalt  }
0x85: {  	_ =	shalt  }
0x86: {  	_ =	shalt  }
0x87: {  	_ =	shalt  }
.Lfunc_end0:
.L_simem_size_0:
called_computation.2_lowered:
.L_overlay_start_0:
0x88: {  	s2 =	sld [smem:$0x3FD9]  }
0x89: {  	s3 =	sld [smem:$0x3FFE];
	_ =	sdelay $0x1  }
0x8a: {  	s1 =	srdreg.scid  }
0x8b: {  	s0 =	sand.u32 $0x1, s1  }
0x8c: {  	s16 =	sshll.u32 s0, $0xA;
	s2 =	sadd.s32 s3, s2  }
0x8d: {  	s2 =	sadd.s32 s2, s16  }
0x8e: {  	[smem:$0x3FAD] =	sst s2  }
0x8f: {  	_ = 	snop  }
0x90: {  	(tm) =	ssettm $0x1  }
0x91: {  	s17 =	sld [smem:$0x3FFB];
	_ =	sdelay $0x3  }
0x92: {  	_ =	strace s17  }
0x93: {  	s2 =	sld [smem:$0x3FFC];
	_ =	sdelay $0x3  }
0x94: {  	_ =	strace s2  }
0x95: {  	s2 =	sld [smem:$0x3FFD];
	_ =	sdelay $0x3  }
0x96: {  	_ =	strace s2  }
0x97: {  	_ =	strace $0x8FFFFFFF  }
0x98: {  	s18 =	sld [smem:$0x3FDB];
	_ =	sdelay $0x1  }
0x99: {  	s19 =	simm.s32 $_scs_section_size  }
0x9a: {  	s4 =	simm.s32 $_size__tile_overlayer_lowered;
	s5 =	simm.s32 $_tile_overlayer_lowered  }
0x9b: {  	s22 =	simm.s32 $0x1BFF;
	s21 =	sshll.u32 s5, $0x1;
	s2 =	sadd.s32 s19, s18  }
0x9c: {  	s6 =	simm.s32 $0x0;
	s20 =	sshll.u32 s4, $0x1;
	s4 =	sadd.s32 s21, s2  }
0x9d: {  	[timem:s6], [sflag:s22] =	dma.local [hbm:s4], s20  }
0x9e: {  	_ =	swait.ge [sflag:s22], s20  }
0x9f: {  	s3 =	ssub.s32 $0x0, s20;
	[sflag:s22] =	ssyncset.done $0x0  }
0xa0: {  	[sflag:s22] =	ssyncadd.s32 s3;
	_ =	sdelay $0x1  }
0xa1: {  	s23 =	simm.s32 $0x1B8B  }
0xa2: {  	_ =	swait.ge [sflag:s23], $0x1  }
0xa3: {  	[sflag:s23] =	ssyncset.done $0x0  }
0xa4: {  	s25 =	simm.s32 $0x1B8E;
	s24 =	sld [smem:$0x3FFE];
	[sflag:s23] =	ssyncadd.s32 $0xFFFFFFFF  }
0xa5: {  	s26 =	simm.s32 $execute0_lowered;
	[smem:$0x3FD2] =	sst s25  }
0xa6: {  	s4 =	sshll.u32 s26, $0x1;
	_ =	strace $0x8000004C;
	[dreg:$0x1] =	wrdreg $0xFFFFFFFF  }
0xa7: {  	s28 =	simm.s32 $_size_execute0_lowered;
	s2 =	sadd.s32 s2, s4;
	[dreg:$0x0] =	wrdreg $0x0  }
0xa8: {  	s4 =	sshll.u32 s28, $0x1;
	[dreg:$0x2] =	wrdreg s2  }
0xa9: {  	[dreg:$0x3] =	wrdreg s4  }
0xaa: {  	[dreg:$0x4] =	wrdreg $0xC0  }
0xab: {  	_ =	task [dreg:s6], $0x5FFFF  }
0xac: {  	[dreg:$0x1] =	wrdreg $0xFFFFFFFF  }
0xad: {  	[dreg:$0x0] =	wrdreg $0x60  }
0xae: {  	[dreg:$0x2] =	wrdreg s24  }
0xaf: {  	[dreg:$0x3] =	wrdreg $0x9  }
0xb0: {  	_ =	task.clear_ibuf [dreg:s6], $0x4FFFF;
	_ =	strace $0x9000004C  }
0xb1: {  	s29 =	simm.s32 $0x9;
	_ =	strace $0x8000004E  }
0xb2: {  	_ =	swait.ge [sflag:s29], $0x1  }
0xb3: {  	[sflag:s29] =	ssyncadd.s32 $0xFFFFFFFF  }
0xb4: {  	_ =	strace $0x9000004E  }
0xb5: {  	_ =	sfence  }
0xb6: {  	s30 =	sld [smem:$0x0];
	_ =	sdelay $0x2  }
0xb7: {  	s31 =	sshll.u32 s1, $0xD;
	s1 =	sshrl.u32 s1, $0x2  }
0xb8: {  	s3 =	sand.u32 $0x4000, s31;
	s1 =	sadd.s32 s1, s30  }
0xb9: {  	s0 =	sor.u32 s3, s0;
	s1 =	sshll.u32 s1, $0x11  }
0xba: {  	s0 =	sor.u32 s1, s0  }
0xbb: {  	s0 =	sadd.s32 $0x8F2B, s0  }
0xbc: {  	[sflag:s0] =	ssyncadd.remote.s32 $0x1  }
0xbd: {  	_ =	sfence.sel $0xFFFF  }
0xbe: {  	[dreg:$0x0] =	wrdreg $0xFFFFFFFF;
	(pc) =	sbr.abs _section_cstart, $3  }
0xbf: {  	[dreg:$0x1] =	wrdreg $0xFFFFFFFF  }
0xc0: {  	_ =	task.clear_ibuf [dreg:s6], $0x2FFFF;
	_ =	strace $0x9FFFFFFF  }
0xc1: {  	(tm) =	ssettm $0x7FFFFFFF  }
tec
execute0_lowered:
.L_overlay_start_1:
0x0: {  	(tag) =	ssettag $0x1  }
0x1: {  	s4 =	rddreg [dreg:$0x0]  }
0x2: {  	s0 =	rddreg [dreg:$0x1]  }
0x3: {  	s3 =	srdreg.scid;
	s2 =	simm.s32 $0x0;
	s1 =	stileid.u32  }
0x4: {  	s10 =	simm.s32 $0x5000;
	s11 =	simm.s32 $0x9000;
	s12 =	simm.s32 $0xD000  }
0x5: {  	s13 =	simm.s32 $0x1;
	s14 =	simm.s32 $0x0;
	s5 =	sand.u32 $0x1, s3  }
0x6: {  	[smem:$0x7FF] =	sst s2;
	s29 =	sshll.u32 s1, $0xD;
	s3 =	sadd.s32 $0x3CCE00, s4  }
0x7: {  	s8 =	sshll.u32 s1, $0x11;
	s6 =	sshll.u32 s5, $0xC;
	_ =	strace $0x8000004D  }
0x8: {  	s7 =	ssub.s32 $0x2, s5;
	s8 =	sadd.s32 s8, s4;
	s30 =	sshll.u32 s5, $0x10  }
0x9: {  	s6 =	sor.u32 s6, s29;
	s9 =	sshrl.u32 s7, $0x1;
	s31 =	sadd.s32 s30, s8  }
0xa: {  	s8 =	simm.s32 $0x80;
	s6 =	sshrl.u32 s6, $0x3;
	s7 =	ssub.s32 s7, s9  }
0xb: {  	s9 =	simm.s32 $0x1000;
	s6 =	sadd.s32 s6, s4;
	s5 =	smax.u32 s7, $0x1  }
0xc: {  	s7 =	simm.s32 $0x2;
	s4 =	sadd.s32 $0x305800, s6;
	s6 =	sadd.s32 $0x105400, s31  }
.LBB2_1:
0xd: {  	[tilespmem:s2], [sflag:$0x2] =	stream.linear.gather [hbm4b:s4+s2], $0x1000, $0x38;
	[tilespmem:$0x11000] =	vst v63  }
0xe: {  	_ =	swait.ge [sflag:s7], $0x1000  }
0xf: {  	[sflag:s7] =	ssyncset.done $0x0  }
0x10: {  	s15 =	simm.s32 $0x0;
	[sflag:s7] =	ssyncadd.s32 $0xFFFFF000  }
0x11: {  	[tilespmem:s9], [sflag:$0x1] =	stream.indirect.gather [hbm4b:s3+s8], $0x80, s15, s8, $0xb8;
	[tilespmem:$0x11000] =	vst v63  }
0x12: {  	s28 =	simm.s32 $0x80  }
0x13: {  	[tilespmem:s10], [sflag:$0x1] =	stream.indirect.gather [hbm4b:s3+s8], $0x80, s28, s8, $0xb8;
	[tilespmem:$0x11000] =	vst v63  }
0x14: {  	s29 =	simm.s32 $0x100  }
0x15: {  	[tilespmem:s11], [sflag:$0x1] =	stream.indirect.gather [hbm4b:s3+s8], $0x80, s29, s8, $0xb8;
	[tilespmem:$0x11000] =	vst v63  }
0x16: {  	s30 =	simm.s32 $0x180  }
0x17: {  	[tilespmem:s12], [sflag:$0x1] =	stream.indirect.gather [hbm4b:s3+s8], $0x80, s30, s8, $0xb8;
	[tilespmem:$0x11000] =	vst v63  }
0x18: {  	_ =	swait.ge [sflag:s13], $0x4000  }
0x19: {  	[sflag:s13] =	ssyncset.done $0x0  }
0x1a: {  	[sflag:s13] =	ssyncadd.s32 $0xFFFFC000  }
0x1b: {  	_ =	swait.ge [sflag:s13], $0x4000  }
0x1c: {  	[sflag:s13] =	ssyncset.done $0x0  }
0x1d: {  	[sflag:s13] =	ssyncadd.s32 $0xFFFFC000  }
0x1e: {  	_ =	swait.ge [sflag:s13], $0x4000  }
0x1f: {  	[sflag:s13] =	ssyncset.done $0x0  }
0x20: {  	[sflag:s13] =	ssyncadd.s32 $0xFFFFC000  }
0x21: {  	_ =	swait.ge [sflag:s13], $0x4000  }
0x22: {  	[sflag:s13] =	ssyncset.done $0x0  }
0x23: {  	s31 =	sadd.s32 $0x0, s6;
	[sflag:s13] =	ssyncadd.s32 $0xFFFFC000  }
0x24: {  	[hbm4b:s31+s2] =	stream.linear.scatter [tilespmem:s9], [sflag:$0x2], $0x10000, $0x38;
	[tilespmem:$0x11000] =	vst v63  }
0x25: {  	s17 =	simm.s32 $0x4000;
	_ =	swait.ge [sflag:s7], $0x10000  }
0x26: {  	s16 =	simm.s32 $0x380;
	s15 =	simm.s32 $0x2000;
	[sflag:s7] =	ssyncset.done $0x0  }
.LBB2_2:
0x27: {  	p0 =	sne.s32 s17, $0xE000;
	s18 =	sadd.s32 $0xFFFFFE80, s16;
	[sflag:s7] =	ssyncadd.s32 $0xFFFF0000  }
0x28: {  	[tilespmem:s9], [sflag:$0x1] =	stream.indirect.gather [hbm4b:s3+s8], $0x80, s18, s8, $0xb8;
	[tilespmem:$0x11000] =	vst v63  }
0x29: {  	s19 =	smov.u32 s17;
	s17 =	sadd.s32 $0x2000, s17;
	s18 =	sadd.s32 $0xFFFFFF00, s16  }
0x2a: {  	[tilespmem:s10], [sflag:$0x1] =	stream.indirect.gather [hbm4b:s3+s8], $0x80, s18, s8, $0xb8;
	[tilespmem:$0x11000] =	vst v63  }
0x2b: {  	s18 =	sadd.s32 $0xFFFFFF80, s16  }
0x2c: {  	[tilespmem:s11], [sflag:$0x1] =	stream.indirect.gather [hbm4b:s3+s8], $0x80, s18, s8, $0xb8;
	[tilespmem:$0x11000] =	vst v63  }
0x2d: {  	_ = 	snop  }
0x2e: {  	[tilespmem:s12], [sflag:$0x1] =	stream.indirect.gather [hbm4b:s3+s8], $0x80, s16, s8, $0xb8;
	[tilespmem:$0x11000] =	vst v63  }
0x2f: {  	_ =	swait.ge [sflag:s13], $0x4000  }
0x30: {  	[sflag:s13] =	ssyncset.done $0x0  }
0x31: {  	[sflag:s13] =	ssyncadd.s32 $0xFFFFC000  }
0x32: {  	_ =	swait.ge [sflag:s13], $0x4000  }
0x33: {  	[sflag:s13] =	ssyncset.done $0x0  }
0x34: {  	[sflag:s13] =	ssyncadd.s32 $0xFFFFC000  }
0x35: {  	_ =	swait.ge [sflag:s13], $0x4000  }
0x36: {  	[sflag:s13] =	ssyncset.done $0x0  }
0x37: {  	[sflag:s13] =	ssyncadd.s32 $0xFFFFC000  }
0x38: {  	_ =	swait.ge [sflag:s13], $0x4000  }
.Ltmp0:
0x39: {  	[sflag:s13] =	ssyncset.done $0x0;
	(pc) =	sbr.rel @p0 .LBB2_2-.Ltmp0, $4  }
0x3a: {  	s18 =	sadd.s32 s15, s6;
	s15 =	smov.u32 s19;
	[sflag:s13] =	ssyncadd.s32 $0xFFFFC000  }
0x3b: {  	[hbm4b:s18+s2] =	stream.linear.scatter [tilespmem:s9], [sflag:$0x2], $0x10000, $0x38;
	[tilespmem:$0x11000] =	vst v63  }
0x3c: {  	_ =	swait.ge [sflag:s7], $0x10000  }
0x3d: {  	s16 =	sadd.s32 $0x200, s16;
	[sflag:s7] =	ssyncset.done $0x0  }
0x3e: {  	s17 =	sadd.s32 $0xFFFFFE80, s16;
	[sflag:s7] =	ssyncadd.s32 $0xFFFF0000  }
0x3f: {  	[tilespmem:s9], [sflag:$0x1] =	stream.indirect.gather [hbm4b:s3+s8], $0x80, s17, s8, $0xb8;
	[tilespmem:$0x11000] =	vst v63  }
0x40: {  	s30 =	sadd.s32 $0xFFFFFF00, s16  }
0x41: {  	[tilespmem:s10], [sflag:$0x1] =	stream.indirect.gather [hbm4b:s3+s8], $0x80, s30, s8, $0xb8;
	[tilespmem:$0x11000] =	vst v63  }
0x42: {  	s31 =	sadd.s32 $0xFFFFFF80, s16  }
0x43: {  	[tilespmem:s11], [sflag:$0x1] =	stream.indirect.gather [hbm4b:s3+s8], $0x80, s31, s8, $0xb8;
	[tilespmem:$0x11000] =	vst v63  }
0x44: {  	_ = 	snop  }
0x45: {  	[tilespmem:s12], [sflag:$0x1] =	stream.indirect.gather [hbm4b:s3+s8], $0x80, s16, s8, $0xb8;
	[tilespmem:$0x11000] =	vst v63  }
0x46: {  	_ =	swait.ge [sflag:s13], $0x4000  }
0x47: {  	[sflag:s13] =	ssyncset.done $0x0  }
0x48: {  	[sflag:s13] =	ssyncadd.s32 $0xFFFFC000  }
0x49: {  	_ =	swait.ge [sflag:s13], $0x4000  }
0x4a: {  	[sflag:s13] =	ssyncset.done $0x0  }
0x4b: {  	[sflag:s13] =	ssyncadd.s32 $0xFFFFC000  }
0x4c: {  	_ =	swait.ge [sflag:s13], $0x4000  }
0x4d: {  	[sflag:s13] =	ssyncset.done $0x0  }
0x4e: {  	[sflag:s13] =	ssyncadd.s32 $0xFFFFC000  }
0x4f: {  	s14 =	sadd.s32 $0x1, s14;
	_ =	swait.ge [sflag:s13], $0x4000  }
0x50: {  	p0 =	sne.s32 s14, s5;
	[sflag:s13] =	ssyncset.done $0x0  }
.Ltmp1:
0x51: {  	s15 =	sadd.s32 s15, s6;
	[sflag:s13] =	ssyncadd.s32 $0xFFFFC000;
	(pc) =	sbr.rel @p0 .LBB2_1-.Ltmp1, $4  }
0x52: {  	[hbm4b:s15+s2] =	stream.linear.scatter [tilespmem:s9], [sflag:$0x2], $0x10000, $0x38;
	[tilespmem:$0x11000] =	vst v63  }
0x53: {  	_ =	swait.ge [sflag:s7], $0x10000  }
0x54: {  	[sflag:s7] =	ssyncset.done $0x0  }
0x55: {  	[sflag:s7] =	ssyncadd.s32 $0xFFFF0000  }
0x56: {  	_ =	sfence.sel $0x180000  }
0x57: {  	[bflag:$0x0] =	sbarrier.arrive $0xFFFF  }
0x58: {  	p0 =	sne.s32 s1, $0x0;
	_ =	strace $0x9000004D  }
0x59: {  	s0 =	sadd.s32 @!p0 $0x100000, s0;
	[bflag:$0x2] =	sbarrier.arrive $0xFFFF  }
0x5a: {  	[sflag:s0] =	ssyncadd.tile.s32 @!p0 $0x1;
	_ =	shalt  }
.Lfunc_end2:
_tile_overlayer_lowered:
.L_overlay_start_2:
0x5b: {  	(tag) =	ssettag $0x2  }
0x5c: {  	s0 =	rddreg [dreg:$0x0];
	s2 =	stileid.u32  }
0x5d: {  	s1 =	rddreg [dreg:$0x1];
	p0 =	sne.s32 s2, $0x0  }
0x5e: {  	s3 =	rddreg [dreg:$0x2];
	[bflag:$0x3] =	sbarrier.arrive $0xFFFF;
	s2 =	simm.s32 @!p0 $0x1C02  }
0x5f: {  	[timem:s3], [sflag:s2] =	dma.local @!p0 [hbm:s0], s1  }
0x60: {  	s0 =	simm.s32 @!p0 $0x2  }
0x61: {  	_ =	swait.ge @!p0 [sflag:s0], s1  }
0x62: {  	s1 =	ssub.s32 @!p0 $0x0, s1;
	[sflag:s0] =	ssyncset.done @!p0 $0x0  }
0x63: {  	[sflag:s0] =	ssyncadd.s32 @!p0 s1  }
0x64: {  	[bflag:$0x3] =	sbarrier.arrive $0xFFFF  }
0x65: {  	_ =	shalt  }

</sc_bundles>
